<compile_context>
chip_gen: v7x
topology: tpu7x:2x2x1
jax: 0.10.2.dev20260603
libtpu: 0.0.44.dev20260713+nightly
codegen_flags: <defaults>
</compile_context>

<pallas_src>
import functools

import jax
import jax.numpy as jnp
from jax import lax
from jax.experimental import pallas as pl
from jax.experimental.pallas import tpu as pltpu
from jax.experimental.pallas import tpu_sc as plsc

NUM_EMB = 1_000_000
DIM = 64
SEQS = 16384
SLEN = 50
BATCH = SEQS * SLEN

_info = plsc.get_sparse_core_info()
_NC, _NS = _info.num_cores, _info.num_subcores
NW = _NC * _NS
ROWS_PER_W = BATCH // NW
GCH = 128
K = 2
SCH = K * GCH
S = ROWS_PER_W // SCH
G_PER_W = ROWS_PER_W // GCH
NBUF = 3

_mesh = plsc.VectorSubcoreMesh(core_axis_name="c", subcore_axis_name="s")

PRE_BLK = 2000


def _pad_body(w_ref, o_ref):
    o_ref[...] = jnp.concatenate(
        [w_ref[...], jnp.zeros((PRE_BLK, DIM), jnp.float32)], axis=1)


_pad_table = pl.pallas_call(
    _pad_body,
    grid=(NUM_EMB // PRE_BLK,),
    in_specs=[pl.BlockSpec((PRE_BLK, DIM), lambda i: (i, 0))],
    out_specs=pl.BlockSpec((PRE_BLK, 2 * DIM), lambda i: (i, 0)),
    out_shape=jax.ShapeDtypeStruct((NUM_EMB, 2 * DIM), jnp.float32),
)

POST_SEQ = 64


def _fmt_body(x_ref, o_ref):
    x = x_ref[...]
    o_ref[...] = x[:, :DIM].reshape(POST_SEQ, SLEN, DIM)


_fmt_out = pl.pallas_call(
    _fmt_body,
    grid=(SEQS // POST_SEQ,),
    in_specs=[pl.BlockSpec((POST_SEQ * SLEN, 2 * DIM), lambda i: (i, 0))],
    out_specs=pl.BlockSpec((POST_SEQ, SLEN, DIM), lambda i: (i, 0, 0)),
    out_shape=jax.ShapeDtypeStruct((SEQS, SLEN, DIM), jnp.float32),
)


@functools.partial(
    pl.kernel,
    mesh=_mesh,
    out_type=jax.ShapeDtypeStruct((BATCH, 2 * DIM), jnp.float32),
    scratch_types=[
        pltpu.VMEM((G_PER_W, GCH), jnp.int32),
        pltpu.VMEM((SCH, 2 * DIM), jnp.float32),
        pltpu.VMEM((SCH, 2 * DIM), jnp.float32),
        pltpu.VMEM((SCH, 2 * DIM), jnp.float32),
        pltpu.SemaphoreType.DMA,
        pltpu.SemaphoreType.DMA,
        pltpu.SemaphoreType.DMA,
        pltpu.SemaphoreType.DMA,
    ],
    compiler_params=pltpu.CompilerParams(use_tc_tiling_on_sc=False),
)
def _emb_lookup(idx_hbm, table_hbm, out_hbm, idx_v, buf0, buf1, buf2,
                sem_g, sem0, sem1, sem2):
    bufs = (buf0, buf1, buf2)
    sems = (sem0, sem1, sem2)
    wid = lax.axis_index("s") * _NC + lax.axis_index("c")
    gbase = wid * G_PER_W
    rbase = wid * ROWS_PER_W
    pltpu.sync_copy(idx_hbm.at[pl.ds(gbase, G_PER_W)], idx_v)

    def fire_gathers(s, b):
        for k in range(K):
            pltpu.async_copy(
                table_hbm.at[idx_v.at[s * K + k]],
                bufs[b].at[pl.ds(k * GCH, GCH)],
                sem_g,
            )

    def wait_gathers(b):
        pltpu.make_async_copy(
            table_hbm.at[pl.ds(0, SCH)], bufs[b], sem_g).wait()

    def fire_out(s, b):
        pltpu.async_copy(
            bufs[b], out_hbm.at[pl.ds(rbase + s * SCH, SCH)], sems[b])

    def wait_out(b):
        pltpu.make_async_copy(
            bufs[b], out_hbm.at[pl.ds(rbase, SCH)], sems[b]).wait()

    def step(s, b, fire_ahead=True):
        wait_gathers(b)
        fire_out(s, b)
        if fire_ahead:
            nb = (b + 2) % NBUF
            wait_out(nb)
            fire_gathers(s + 2, nb)

    fire_gathers(0, 0)
    fire_gathers(1, 1)
    wait_gathers(0)
    fire_out(0, 0)
    fire_gathers(2, 2)

    def body(t, carry):
        s = 3 * t + 1
        step(s, 1)
        step(s + 1, 2)
        step(s + 2, 0)
        return carry

    T = (S - 7) // 3
    lax.fori_loop(0, T, body, 0)
    for s in range(3 * T + 1, S):
        step(s, s % NBUF, fire_ahead=(s + 2 < S))
    wait_out((S - 3) % NBUF)
    wait_out((S - 2) % NBUF)
    wait_out((S - 1) % NBUF)


def kernel(token_ids, weight):
    idx = token_ids.reshape(NW * G_PER_W, GCH).astype(jnp.int32)
    wpad = jnp.pad(weight, ((0, 0), (0, DIM)))
    rows = _emb_lookup(idx, wpad)
    return rows[:, :DIM].reshape(SEQS, SLEN, DIM)

# --- scband reference (transcript-rebuilt; emitter-appended) ---
"""Pipeline reference for scband-embedding-2078764171618 (READ-ONLY COPY).

The authoritative reference and input builder live on the scoring server;
editing this copy changes nothing except your own understanding.
"""

import jax, jax.numpy as jnp
import numpy as np

NUM_EMBEDDINGS = 1000000
EMBEDDING_DIM = 64

def setup_inputs(seed: int = 0) -> dict:
    key = jax.random.key(seed)
    k_idx, k_w = jax.random.split(key)
    token_ids = jax.random.randint(k_idx, (16384, 50), 0, NUM_EMBEDDINGS, dtype=jnp.int64 if jax.config.jax_enable_x64 else jnp.int32)
    # trunc_normal_(mean=0, std=1, a=-3, b=3)
    weight = jax.random.truncated_normal(k_w, -3.0, 3.0, (NUM_EMBEDDINGS, EMBEDDING_DIM), dtype=jnp.float32)
    return {"token_ids": token_ids, "weight": weight}

def reference(token_ids, weight):
    # output = self.weight[token_ids]
    output = jnp.take(weight, token_ids, axis=0)
    return output

if __name__ == "__main__":
    import jax
    _d = setup_inputs()
    print(jax.jit(kernel)(*tuple(_d.values())))

</pallas_src>

<mosaic_0001>
#map = affine_map<(d0, d1) -> (0, 0)>
module attributes {stable_mosaic.version = 14 : i64} {
  func.func @_emb_lookup(%arg0: i32, %arg1: i32, %arg2: memref<6400x128xi32, #tpu.memory_space<hbm>>, %arg3: memref<1000000x128xf32, #tpu.memory_space<hbm>>, %arg4: memref<819200x128xf32, #tpu.memory_space<hbm>>, %arg5: memref<200x128xi32, #tpu.memory_space<vmem>>, %arg6: memref<256x128xf32, #tpu.memory_space<vmem>>, %arg7: memref<256x128xf32, #tpu.memory_space<vmem>>, %arg8: memref<256x128xf32, #tpu.memory_space<vmem>>, %arg9: memref<!tpu.dma_semaphore, #tpu.memory_space<semaphore_mem>>, %arg10: memref<!tpu.dma_semaphore, #tpu.memory_space<semaphore_mem>>, %arg11: memref<!tpu.dma_semaphore, #tpu.memory_space<semaphore_mem>>, %arg12: memref<!tpu.dma_semaphore, #tpu.memory_space<semaphore_mem>>) attributes {dimension_semantics = [#tpu.dimension_semantics<core_parallel>, #tpu.dimension_semantics<subcore_parallel>], iteration_bounds = array<i64: 2, 16>, scalar_prefetch = 0 : i64, scratch_operands = 8 : i64, tpu.core_type = #tpu.core_type<sc_vector_subcore>, window_params = [{transform_indices = #map}, {transform_indices = #map}, {transform_indices = #map}]} {
    %mul3A = arith.constant 2 : i32
    %mul3A_0 = arith.muli %arg1, %mul3A : i32
    %add3A = arith.addi %mul3A_0, %arg0 : i32
    %mul3A_1 = arith.constant 200 : i32
    %mul3A_2 = arith.muli %add3A, %mul3A_1 : i32
    %mul3A_3 = arith.constant 25600 : i32
    %mul3A_4 = arith.muli %add3A, %mul3A_3 : i32
    "tpu.region"() ({
      %run_scoped3A = tpu.sem_alloc : memref<!tpu.dma_semaphore, #tpu.memory_space<semaphore_mem>>
      %dma_start3A_260 = arith.constant 0 : i32
      %dma_start3A_261 = tpu.memref_slice %arg2[%mul3A_2, %dma_start3A_260] : memref<6400x128xi32, #tpu.memory_space<hbm>> -> memref<200x128xi32, #tpu.memory_space<hbm>>
      %dma_start3A_262 = arith.constant 0 : i32
      %dma_start3A_263 = tpu.memref_slice %arg2[%mul3A_2, %dma_start3A_262] : memref<6400x128xi32, #tpu.memory_space<hbm>> -> memref<200x128xi32, #tpu.memory_space<hbm>>
      tpu.enqueue_dma source(%dma_start3A_263 : memref<200x128xi32, #tpu.memory_space<hbm>>) target(%arg5 : memref<200x128xi32, #tpu.memory_space<vmem>>) target_semaphore(%run_scoped3A : memref<!tpu.dma_semaphore, #tpu.memory_space<semaphore_mem>>)
      %dma_wait3A_264 = arith.constant 0 : i32
      %dma_wait3A_265 = tpu.memref_slice %arg2[%mul3A_2, %dma_wait3A_264] : memref<6400x128xi32, #tpu.memory_space<hbm>> -> memref<200x128xi32, #tpu.memory_space<hbm>>
      %dma_wait3A_266 = arith.constant 0 : i32
      %dma_wait3A_267 = tpu.memref_slice %arg2[%mul3A_2, %dma_wait3A_266] : memref<6400x128xi32, #tpu.memory_space<hbm>> -> memref<200x128xi32, #tpu.memory_space<hbm>>
      tpu.wait_dma2 semaphore(%run_scoped3A : memref<!tpu.dma_semaphore, #tpu.memory_space<semaphore_mem>>) src(%dma_wait3A_267 : memref<200x128xi32, #tpu.memory_space<hbm>>) dst(%arg5 : memref<200x128xi32, #tpu.memory_space<vmem>>)
      tpu.yield
    }) : () -> ()
    %dma_start3A = arith.constant 0 : i32
    %dma_start3A_5 = arith.constant 0 : i32
    %dma_start3A_6 = arith.constant 0 : i32
    %dma_start3A_7 = tpu.memref_slice %arg6[%dma_start3A_5, %dma_start3A_6] : memref<256x128xf32, #tpu.memory_space<vmem>> -> memref<128x128xf32, #tpu.memory_space<vmem>>
    %dma_start3A_8 = arith.constant 0 : i32
    %dma_start3A_9 = tpu.memref_slice %arg5[%dma_start3A, %dma_start3A_8] : memref<200x128xi32, #tpu.memory_space<vmem>> -> memref<1x128xi32, #tpu.memory_space<vmem>>
    %dma_start3A_10 = tpu.memref_squeeze %dma_start3A_9 : memref<1x128xi32, #tpu.memory_space<vmem>> -> memref<128xi32, #tpu.memory_space<vmem>>
    %dma_start3A_11 = arith.constant 0 : i32
    %dma_start3A_12 = arith.constant 0 : i32
    %dma_start3A_13 = tpu.memref_slice %arg3[%dma_start3A_11, %dma_start3A_12] : memref<1000000x128xf32, #tpu.memory_space<hbm>> -> memref<1000000x128xf32, #tpu.memory_space<hbm>>
    tpu.enqueue_indirect_dma source(%dma_start3A_13 : memref<1000000x128xf32, #tpu.memory_space<hbm>>) target(%dma_start3A_7 : memref<128x128xf32, #tpu.memory_space<vmem>>) offsets(%dma_start3A_10 : memref<128xi32, #tpu.memory_space<vmem>>) semaphore(%arg9 : memref<!tpu.dma_semaphore, #tpu.memory_space<semaphore_mem>>)
    %dma_start3A_14 = arith.constant 1 : i32
    %dma_start3A_15 = arith.constant 128 : i32
    %dma_start3A_16 = arith.constant 0 : i32
    %dma_start3A_17 = tpu.memref_slice %arg6[%dma_start3A_15, %dma_start3A_16] : memref<256x128xf32, #tpu.memory_space<vmem>> -> memref<128x128xf32, #tpu.memory_space<vmem>>
    %dma_start3A_18 = arith.constant 0 : i32
    %dma_start3A_19 = tpu.memref_slice %arg5[%dma_start3A_14, %dma_start3A_18] : memref<200x128xi32, #tpu.memory_space<vmem>> -> memref<1x128xi32, #tpu.memory_space<vmem>>
    %dma_start3A_20 = tpu.memref_squeeze %dma_start3A_19 : memref<1x128xi32, #tpu.memory_space<vmem>> -> memref<128xi32, #tpu.memory_space<vmem>>
    %dma_start3A_21 = arith.constant 0 : i32
    %dma_start3A_22 = arith.constant 0 : i32
    %dma_start3A_23 = tpu.memref_slice %arg3[%dma_start3A_21, %dma_start3A_22] : memref<1000000x128xf32, #tpu.memory_space<hbm>> -> memref<1000000x128xf32, #tpu.memory_space<hbm>>
    tpu.enqueue_indirect_dma source(%dma_start3A_23 : memref<1000000x128xf32, #tpu.memory_space<hbm>>) target(%dma_start3A_17 : memref<128x128xf32, #tpu.memory_space<vmem>>) offsets(%dma_start3A_20 : memref<128xi32, #tpu.memory_space<vmem>>) semaphore(%arg9 : memref<!tpu.dma_semaphore, #tpu.memory_space<semaphore_mem>>)
    %dma_start3A_24 = arith.constant 2 : i32
    %dma_start3A_25 = arith.constant 0 : i32
    %dma_start3A_26 = arith.constant 0 : i32
    %dma_start3A_27 = tpu.memref_slice %arg7[%dma_start3A_25, %dma_start3A_26] : memref<256x128xf32, #tpu.memory_space<vmem>> -> memref<128x128xf32, #tpu.memory_space<vmem>>
    %dma_start3A_28 = arith.constant 0 : i32
    %dma_start3A_29 = tpu.memref_slice %arg5[%dma_start3A_24, %dma_start3A_28] : memref<200x128xi32, #tpu.memory_space<vmem>> -> memref<1x128xi32, #tpu.memory_space<vmem>>
    %dma_start3A_30 = tpu.memref_squeeze %dma_start3A_29 : memref<1x128xi32, #tpu.memory_space<vmem>> -> memref<128xi32, #tpu.memory_space<vmem>>
    %dma_start3A_31 = arith.constant 0 : i32
    %dma_start3A_32 = arith.constant 0 : i32
    %dma_start3A_33 = tpu.memref_slice %arg3[%dma_start3A_31, %dma_start3A_32] : memref<1000000x128xf32, #tpu.memory_space<hbm>> -> memref<1000000x128xf32, #tpu.memory_space<hbm>>
    tpu.enqueue_indirect_dma source(%dma_start3A_33 : memref<1000000x128xf32, #tpu.memory_space<hbm>>) target(%dma_start3A_27 : memref<128x128xf32, #tpu.memory_space<vmem>>) offsets(%dma_start3A_30 : memref<128xi32, #tpu.memory_space<vmem>>) semaphore(%arg9 : memref<!tpu.dma_semaphore, #tpu.memory_space<semaphore_mem>>)
    %dma_start3A_34 = arith.constant 3 : i32
    %dma_start3A_35 = arith.constant 128 : i32
    %dma_start3A_36 = arith.constant 0 : i32
    %dma_start3A_37 = tpu.memref_slice %arg7[%dma_start3A_35, %dma_start3A_36] : memref<256x128xf32, #tpu.memory_space<vmem>> -> memref<128x128xf32, #tpu.memory_space<vmem>>
    %dma_start3A_38 = arith.constant 0 : i32
    %dma_start3A_39 = tpu.memref_slice %arg5[%dma_start3A_34, %dma_start3A_38] : memref<200x128xi32, #tpu.memory_space<vmem>> -> memref<1x128xi32, #tpu.memory_space<vmem>>
    %dma_start3A_40 = tpu.memref_squeeze %dma_start3A_39 : memref<1x128xi32, #tpu.memory_space<vmem>> -> memref<128xi32, #tpu.memory_space<vmem>>
    %dma_start3A_41 = arith.constant 0 : i32
    %dma_start3A_42 = arith.constant 0 : i32
    %dma_start3A_43 = tpu.memref_slice %arg3[%dma_start3A_41, %dma_start3A_42] : memref<1000000x128xf32, #tpu.memory_space<hbm>> -> memref<1000000x128xf32, #tpu.memory_space<hbm>>
    tpu.enqueue_indirect_dma source(%dma_start3A_43 : memref<1000000x128xf32, #tpu.memory_space<hbm>>) target(%dma_start3A_37 : memref<128x128xf32, #tpu.memory_space<vmem>>) offsets(%dma_start3A_40 : memref<128xi32, #tpu.memory_space<vmem>>) semaphore(%arg9 : memref<!tpu.dma_semaphore, #tpu.memory_space<semaphore_mem>>)
    %dma_wait3A = arith.constant 0 : i32
    %dma_wait3A_44 = arith.constant 0 : i32
    %dma_wait3A_45 = tpu.memref_slice %arg3[%dma_wait3A, %dma_wait3A_44] : memref<1000000x128xf32, #tpu.memory_space<hbm>> -> memref<256x128xf32, #tpu.memory_space<hbm>>
    %dma_wait3A_46 = arith.constant 0 : i32
    %dma_wait3A_47 = arith.constant 0 : i32
    %dma_wait3A_48 = tpu.memref_slice %arg3[%dma_wait3A_46, %dma_wait3A_47] : memref<1000000x128xf32, #tpu.memory_space<hbm>> -> memref<256x128xf32, #tpu.memory_space<hbm>>
    tpu.wait_dma2 semaphore(%arg9 : memref<!tpu.dma_semaphore, #tpu.memory_space<semaphore_mem>>) src(%dma_wait3A_48 : memref<256x128xf32, #tpu.memory_space<hbm>>) dst(%arg6 : memref<256x128xf32, #tpu.memory_space<vmem>>)
    %add3A_49 = arith.constant 0 : i32
    %add3A_50 = arith.addi %mul3A_4, %add3A_49 : i32
    %dma_start3A_51 = arith.constant 0 : i32
    %dma_start3A_52 = tpu.memref_slice %arg4[%add3A_50, %dma_start3A_51] : memref<819200x128xf32, #tpu.memory_space<hbm>> -> memref<256x128xf32, #tpu.memory_space<hbm>>
    %dma_start3A_53 = arith.constant 0 : i32
    %dma_start3A_54 = tpu.memref_slice %arg4[%add3A_50, %dma_start3A_53] : memref<819200x128xf32, #tpu.memory_space<hbm>> -> memref<256x128xf32, #tpu.memory_space<hbm>>
    tpu.enqueue_dma source(%arg6 : memref<256x128xf32, #tpu.memory_space<vmem>>) target(%dma_start3A_54 : memref<256x128xf32, #tpu.memory_space<hbm>>) target_semaphore(%arg10 : memref<!tpu.dma_semaphore, #tpu.memory_space<semaphore_mem>>)
    %dma_start3A_55 = arith.constant 4 : i32
    %dma_start3A_56 = arith.constant 0 : i32
    %dma_start3A_57 = arith.constant 0 : i32
    %dma_start3A_58 = tpu.memref_slice %arg8[%dma_start3A_56, %dma_start3A_57] : memref<256x128xf32, #tpu.memory_space<vmem>> -> memref<128x128xf32, #tpu.memory_space<vmem>>
    %dma_start3A_59 = arith.constant 0 : i32
    %dma_start3A_60 = tpu.memref_slice %arg5[%dma_start3A_55, %dma_start3A_59] : memref<200x128xi32, #tpu.memory_space<vmem>> -> memref<1x128xi32, #tpu.memory_space<vmem>>
    %dma_start3A_61 = tpu.memref_squeeze %dma_start3A_60 : memref<1x128xi32, #tpu.memory_space<vmem>> -> memref<128xi32, #tpu.memory_space<vmem>>
    %dma_start3A_62 = arith.constant 0 : i32
    %dma_start3A_63 = arith.constant 0 : i32
    %dma_start3A_64 = tpu.memref_slice %arg3[%dma_start3A_62, %dma_start3A_63] : memref<1000000x128xf32, #tpu.memory_space<hbm>> -> memref<1000000x128xf32, #tpu.memory_space<hbm>>
    tpu.enqueue_indirect_dma source(%dma_start3A_64 : memref<1000000x128xf32, #tpu.memory_space<hbm>>) target(%dma_start3A_58 : memref<128x128xf32, #tpu.memory_space<vmem>>) offsets(%dma_start3A_61 : memref<128xi32, #tpu.memory_space<vmem>>) semaphore(%arg9 : memref<!tpu.dma_semaphore, #tpu.memory_space<semaphore_mem>>)
    %dma_start3A_65 = arith.constant 5 : i32
    %dma_start3A_66 = arith.constant 128 : i32
    %dma_start3A_67 = arith.constant 0 : i32
    %dma_start3A_68 = tpu.memref_slice %arg8[%dma_start3A_66, %dma_start3A_67] : memref<256x128xf32, #tpu.memory_space<vmem>> -> memref<128x128xf32, #tpu.memory_space<vmem>>
    %dma_start3A_69 = arith.constant 0 : i32
    %dma_start3A_70 = tpu.memref_slice %arg5[%dma_start3A_65, %dma_start3A_69] : memref<200x128xi32, #tpu.memory_space<vmem>> -> memref<1x128xi32, #tpu.memory_space<vmem>>
    %dma_start3A_71 = tpu.memref_squeeze %dma_start3A_70 : memref<1x128xi32, #tpu.memory_space<vmem>> -> memref<128xi32, #tpu.memory_space<vmem>>
    %dma_start3A_72 = arith.constant 0 : i32
    %dma_start3A_73 = arith.constant 0 : i32
    %dma_start3A_74 = tpu.memref_slice %arg3[%dma_start3A_72, %dma_start3A_73] : memref<1000000x128xf32, #tpu.memory_space<hbm>> -> memref<1000000x128xf32, #tpu.memory_space<hbm>>
    tpu.enqueue_indirect_dma source(%dma_start3A_74 : memref<1000000x128xf32, #tpu.memory_space<hbm>>) target(%dma_start3A_68 : memref<128x128xf32, #tpu.memory_space<vmem>>) offsets(%dma_start3A_71 : memref<128xi32, #tpu.memory_space<vmem>>) semaphore(%arg9 : memref<!tpu.dma_semaphore, #tpu.memory_space<semaphore_mem>>)
    %scan3A = arith.constant 0 : i32
    %scan3A_75 = arith.constant 0 : i32
    %scan3A_76 = arith.constant 31 : i32
    %scan3A_77 = arith.addi %scan3A_75, %scan3A_76 : i32
    %scan3A_78 = arith.constant 1 : i32
    scf.for %scan3A_260 = %scan3A_75 to %scan3A_77 step %scan3A_78  : i32 {
      %mul3A_261 = arith.constant 3 : i32
      %mul3A_262 = arith.muli %mul3A_261, %scan3A_260 : i32
      %add3A_263 = arith.constant 1 : i32
      %add3A_264 = arith.addi %mul3A_262, %add3A_263 : i32
      %dma_wait3A_265 = arith.constant 0 : i32
      %dma_wait3A_266 = arith.constant 0 : i32
      %dma_wait3A_267 = tpu.memref_slice %arg3[%dma_wait3A_265, %dma_wait3A_266] : memref<1000000x128xf32, #tpu.memory_space<hbm>> -> memref<256x128xf32, #tpu.memory_space<hbm>>
      %dma_wait3A_268 = arith.constant 0 : i32
      %dma_wait3A_269 = arith.constant 0 : i32
      %dma_wait3A_270 = tpu.memref_slice %arg3[%dma_wait3A_268, %dma_wait3A_269] : memref<1000000x128xf32, #tpu.memory_space<hbm>> -> memref<256x128xf32, #tpu.memory_space<hbm>>
      tpu.wait_dma2 semaphore(%arg9 : memref<!tpu.dma_semaphore, #tpu.memory_space<semaphore_mem>>) src(%dma_wait3A_270 : memref<256x128xf32, #tpu.memory_space<hbm>>) dst(%arg7 : memref<256x128xf32, #tpu.memory_space<vmem>>)
      %mul3A_271 = arith.constant 256 : i32
      %mul3A_272 = arith.muli %add3A_264, %mul3A_271 : i32
      %add3A_273 = arith.addi %mul3A_4, %mul3A_272 : i32
      %dma_start3A_274 = arith.constant 0 : i32
      %dma_start3A_275 = tpu.memref_slice %arg4[%add3A_273, %dma_start3A_274] : memref<819200x128xf32, #tpu.memory_space<hbm>> -> memref<256x128xf32, #tpu.memory_space<hbm>>
      %dma_start3A_276 = arith.constant 0 : i32
      %dma_start3A_277 = tpu.memref_slice %arg4[%add3A_273, %dma_start3A_276] : memref<819200x128xf32, #tpu.memory_space<hbm>> -> memref<256x128xf32, #tpu.memory_space<hbm>>
      tpu.enqueue_dma source(%arg7 : memref<256x128xf32, #tpu.memory_space<vmem>>) target(%dma_start3A_277 : memref<256x128xf32, #tpu.memory_space<hbm>>) target_semaphore(%arg11 : memref<!tpu.dma_semaphore, #tpu.memory_space<semaphore_mem>>)
      %dma_wait3A_278 = arith.constant 0 : i32
      %dma_wait3A_279 = tpu.memref_slice %arg4[%mul3A_4, %dma_wait3A_278] : memref<819200x128xf32, #tpu.memory_space<hbm>> -> memref<256x128xf32, #tpu.memory_space<hbm>>
      %dma_wait3A_280 = arith.constant 0 : i32
      %dma_wait3A_281 = tpu.memref_slice %arg4[%mul3A_4, %dma_wait3A_280] : memref<819200x128xf32, #tpu.memory_space<hbm>> -> memref<256x128xf32, #tpu.memory_space<hbm>>
      tpu.wait_dma2 semaphore(%arg10 : memref<!tpu.dma_semaphore, #tpu.memory_space<semaphore_mem>>) src(%arg6 : memref<256x128xf32, #tpu.memory_space<vmem>>) dst(%dma_wait3A_281 : memref<256x128xf32, #tpu.memory_space<hbm>>)
      %add3A_282 = arith.constant 2 : i32
      %add3A_283 = arith.addi %add3A_264, %add3A_282 : i32
      %mul3A_284 = arith.constant 2 : i32
      %mul3A_285 = arith.muli %add3A_283, %mul3A_284 : i32
      %add3A_286 = arith.constant 0 : i32
      %add3A_287 = arith.addi %mul3A_285, %add3A_286 : i32
      %dma_start3A_288 = arith.constant 0 : i32
      %dma_start3A_289 = arith.constant 0 : i32
      %dma_start3A_290 = tpu.memref_slice %arg6[%dma_start3A_288, %dma_start3A_289] : memref<256x128xf32, #tpu.memory_space<vmem>> -> memref<128x128xf32, #tpu.memory_space<vmem>>
      %dma_start3A_291 = arith.constant 0 : i32
      %dma_start3A_292 = tpu.memref_slice %arg5[%add3A_287, %dma_start3A_291] : memref<200x128xi32, #tpu.memory_space<vmem>> -> memref<1x128xi32, #tpu.memory_space<vmem>>
      %dma_start3A_293 = tpu.memref_squeeze %dma_start3A_292 : memref<1x128xi32, #tpu.memory_space<vmem>> -> memref<128xi32, #tpu.memory_space<vmem>>
      %dma_start3A_294 = arith.constant 0 : i32
      %dma_start3A_295 = arith.constant 0 : i32
      %dma_start3A_296 = tpu.memref_slice %arg3[%dma_start3A_294, %dma_start3A_295] : memref<1000000x128xf32, #tpu.memory_space<hbm>> -> memref<1000000x128xf32, #tpu.memory_space<hbm>>
      tpu.enqueue_indirect_dma source(%dma_start3A_296 : memref<1000000x128xf32, #tpu.memory_space<hbm>>) target(%dma_start3A_290 : memref<128x128xf32, #tpu.memory_space<vmem>>) offsets(%dma_start3A_293 : memref<128xi32, #tpu.memory_space<vmem>>) semaphore(%arg9 : memref<!tpu.dma_semaphore, #tpu.memory_space<semaphore_mem>>)
      %mul3A_297 = arith.constant 2 : i32
      %mul3A_298 = arith.muli %add3A_283, %mul3A_297 : i32
      %add3A_299 = arith.constant 1 : i32
      %add3A_300 = arith.addi %mul3A_298, %add3A_299 : i32
      %dma_start3A_301 = arith.constant 128 : i32
      %dma_start3A_302 = arith.constant 0 : i32
      %dma_start3A_303 = tpu.memref_slice %arg6[%dma_start3A_301, %dma_start3A_302] : memref<256x128xf32, #tpu.memory_space<vmem>> -> memref<128x128xf32, #tpu.memory_space<vmem>>
      %dma_start3A_304 = arith.constant 0 : i32
      %dma_start3A_305 = tpu.memref_slice %arg5[%add3A_300, %dma_start3A_304] : memref<200x128xi32, #tpu.memory_space<vmem>> -> memref<1x128xi32, #tpu.memory_space<vmem>>
      %dma_start3A_306 = tpu.memref_squeeze %dma_start3A_305 : memref<1x128xi32, #tpu.memory_space<vmem>> -> memref<128xi32, #tpu.memory_space<vmem>>
      %dma_start3A_307 = arith.constant 0 : i32
      %dma_start3A_308 = arith.constant 0 : i32
      %dma_start3A_309 = tpu.memref_slice %arg3[%dma_start3A_307, %dma_start3A_308] : memref<1000000x128xf32, #tpu.memory_space<hbm>> -> memref<1000000x128xf32, #tpu.memory_space<hbm>>
      tpu.enqueue_indirect_dma source(%dma_start3A_309 : memref<1000000x128xf32, #tpu.memory_space<hbm>>) target(%dma_start3A_303 : memref<128x128xf32, #tpu.memory_space<vmem>>) offsets(%dma_start3A_306 : memref<128xi32, #tpu.memory_space<vmem>>) semaphore(%arg9 : memref<!tpu.dma_semaphore, #tpu.memory_space<semaphore_mem>>)
      %add3A_310 = arith.constant 1 : i32
      %add3A_311 = arith.addi %add3A_264, %add3A_310 : i32
      %dma_wait3A_312 = arith.constant 0 : i32
      %dma_wait3A_313 = arith.constant 0 : i32
      %dma_wait3A_314 = tpu.memref_slice %arg3[%dma_wait3A_312, %dma_wait3A_313] : memref<1000000x128xf32, #tpu.memory_space<hbm>> -> memref<256x128xf32, #tpu.memory_space<hbm>>
      %dma_wait3A_315 = arith.constant 0 : i32
      %dma_wait3A_316 = arith.constant 0 : i32
      %dma_wait3A_317 = tpu.memref_slice %arg3[%dma_wait3A_315, %dma_wait3A_316] : memref<1000000x128xf32, #tpu.memory_space<hbm>> -> memref<256x128xf32, #tpu.memory_space<hbm>>
      tpu.wait_dma2 semaphore(%arg9 : memref<!tpu.dma_semaphore, #tpu.memory_space<semaphore_mem>>) src(%dma_wait3A_317 : memref<256x128xf32, #tpu.memory_space<hbm>>) dst(%arg8 : memref<256x128xf32, #tpu.memory_space<vmem>>)
      %mul3A_318 = arith.constant 256 : i32
      %mul3A_319 = arith.muli %add3A_311, %mul3A_318 : i32
      %add3A_320 = arith.addi %mul3A_4, %mul3A_319 : i32
      %dma_start3A_321 = arith.constant 0 : i32
      %dma_start3A_322 = tpu.memref_slice %arg4[%add3A_320, %dma_start3A_321] : memref<819200x128xf32, #tpu.memory_space<hbm>> -> memref<256x128xf32, #tpu.memory_space<hbm>>
      %dma_start3A_323 = arith.constant 0 : i32
      %dma_start3A_324 = tpu.memref_slice %arg4[%add3A_320, %dma_start3A_323] : memref<819200x128xf32, #tpu.memory_space<hbm>> -> memref<256x128xf32, #tpu.memory_space<hbm>>
      tpu.enqueue_dma source(%arg8 : memref<256x128xf32, #tpu.memory_space<vmem>>) target(%dma_start3A_324 : memref<256x128xf32, #tpu.memory_space<hbm>>) target_semaphore(%arg12 : memref<!tpu.dma_semaphore, #tpu.memory_space<semaphore_mem>>)
      %dma_wait3A_325 = arith.constant 0 : i32
      %dma_wait3A_326 = tpu.memref_slice %arg4[%mul3A_4, %dma_wait3A_325] : memref<819200x128xf32, #tpu.memory_space<hbm>> -> memref<256x128xf32, #tpu.memory_space<hbm>>
      %dma_wait3A_327 = arith.constant 0 : i32
      %dma_wait3A_328 = tpu.memref_slice %arg4[%mul3A_4, %dma_wait3A_327] : memref<819200x128xf32, #tpu.memory_space<hbm>> -> memref<256x128xf32, #tpu.memory_space<hbm>>
      tpu.wait_dma2 semaphore(%arg11 : memref<!tpu.dma_semaphore, #tpu.memory_space<semaphore_mem>>) src(%arg7 : memref<256x128xf32, #tpu.memory_space<vmem>>) dst(%dma_wait3A_328 : memref<256x128xf32, #tpu.memory_space<hbm>>)
      %add3A_329 = arith.constant 2 : i32
      %add3A_330 = arith.addi %add3A_311, %add3A_329 : i32
      %mul3A_331 = arith.constant 2 : i32
      %mul3A_332 = arith.muli %add3A_330, %mul3A_331 : i32
      %add3A_333 = arith.constant 0 : i32
      %add3A_334 = arith.addi %mul3A_332, %add3A_333 : i32
      %dma_start3A_335 = arith.constant 0 : i32
      %dma_start3A_336 = arith.constant 0 : i32
      %dma_start3A_337 = tpu.memref_slice %arg7[%dma_start3A_335, %dma_start3A_336] : memref<256x128xf32, #tpu.memory_space<vmem>> -> memref<128x128xf32, #tpu.memory_space<vmem>>
      %dma_start3A_338 = arith.constant 0 : i32
      %dma_start3A_339 = tpu.memref_slice %arg5[%add3A_334, %dma_start3A_338] : memref<200x128xi32, #tpu.memory_space<vmem>> -> memref<1x128xi32, #tpu.memory_space<vmem>>
      %dma_start3A_340 = tpu.memref_squeeze %dma_start3A_339 : memref<1x128xi32, #tpu.memory_space<vmem>> -> memref<128xi32, #tpu.memory_space<vmem>>
      %dma_start3A_341 = arith.constant 0 : i32
      %dma_start3A_342 = arith.constant 0 : i32
      %dma_start3A_343 = tpu.memref_slice %arg3[%dma_start3A_341, %dma_start3A_342] : memref<1000000x128xf32, #tpu.memory_space<hbm>> -> memref<1000000x128xf32, #tpu.memory_space<hbm>>
      tpu.enqueue_indirect_dma source(%dma_start3A_343 : memref<1000000x128xf32, #tpu.memory_space<hbm>>) target(%dma_start3A_337 : memref<128x128xf32, #tpu.memory_space<vmem>>) offsets(%dma_start3A_340 : memref<128xi32, #tpu.memory_space<vmem>>) semaphore(%arg9 : memref<!tpu.dma_semaphore, #tpu.memory_space<semaphore_mem>>)
      %mul3A_344 = arith.constant 2 : i32
      %mul3A_345 = arith.muli %add3A_330, %mul3A_344 : i32
      %add3A_346 = arith.constant 1 : i32
      %add3A_347 = arith.addi %mul3A_345, %add3A_346 : i32
      %dma_start3A_348 = arith.constant 128 : i32
      %dma_start3A_349 = arith.constant 0 : i32
      %dma_start3A_350 = tpu.memref_slice %arg7[%dma_start3A_348, %dma_start3A_349] : memref<256x128xf32, #tpu.memory_space<vmem>> -> memref<128x128xf32, #tpu.memory_space<vmem>>
      %dma_start3A_351 = arith.constant 0 : i32
      %dma_start3A_352 = tpu.memref_slice %arg5[%add3A_347, %dma_start3A_351] : memref<200x128xi32, #tpu.memory_space<vmem>> -> memref<1x128xi32, #tpu.memory_space<vmem>>
      %dma_start3A_353 = tpu.memref_squeeze %dma_start3A_352 : memref<1x128xi32, #tpu.memory_space<vmem>> -> memref<128xi32, #tpu.memory_space<vmem>>
      %dma_start3A_354 = arith.constant 0 : i32
      %dma_start3A_355 = arith.constant 0 : i32
      %dma_start3A_356 = tpu.memref_slice %arg3[%dma_start3A_354, %dma_start3A_355] : memref<1000000x128xf32, #tpu.memory_space<hbm>> -> memref<1000000x128xf32, #tpu.memory_space<hbm>>
      tpu.enqueue_indirect_dma source(%dma_start3A_356 : memref<1000000x128xf32, #tpu.memory_space<hbm>>) target(%dma_start3A_350 : memref<128x128xf32, #tpu.memory_space<vmem>>) offsets(%dma_start3A_353 : memref<128xi32, #tpu.memory_space<vmem>>) semaphore(%arg9 : memref<!tpu.dma_semaphore, #tpu.memory_space<semaphore_mem>>)
      %add3A_357 = arith.constant 2 : i32
      %add3A_358 = arith.addi %add3A_264, %add3A_357 : i32
      %dma_wait3A_359 = arith.constant 0 : i32
      %dma_wait3A_360 = arith.constant 0 : i32
      %dma_wait3A_361 = tpu.memref_slice %arg3[%dma_wait3A_359, %dma_wait3A_360] : memref<1000000x128xf32, #tpu.memory_space<hbm>> -> memref<256x128xf32, #tpu.memory_space<hbm>>
      %dma_wait3A_362 = arith.constant 0 : i32
      %dma_wait3A_363 = arith.constant 0 : i32
      %dma_wait3A_364 = tpu.memref_slice %arg3[%dma_wait3A_362, %dma_wait3A_363] : memref<1000000x128xf32, #tpu.memory_space<hbm>> -> memref<256x128xf32, #tpu.memory_space<hbm>>
      tpu.wait_dma2 semaphore(%arg9 : memref<!tpu.dma_semaphore, #tpu.memory_space<semaphore_mem>>) src(%dma_wait3A_364 : memref<256x128xf32, #tpu.memory_space<hbm>>) dst(%arg6 : memref<256x128xf32, #tpu.memory_space<vmem>>)
      %mul3A_365 = arith.constant 256 : i32
      %mul3A_366 = arith.muli %add3A_358, %mul3A_365 : i32
      %add3A_367 = arith.addi %mul3A_4, %mul3A_366 : i32
      %dma_start3A_368 = arith.constant 0 : i32
      %dma_start3A_369 = tpu.memref_slice %arg4[%add3A_367, %dma_start3A_368] : memref<819200x128xf32, #tpu.memory_space<hbm>> -> memref<256x128xf32, #tpu.memory_space<hbm>>
      %dma_start3A_370 = arith.constant 0 : i32
      %dma_start3A_371 = tpu.memref_slice %arg4[%add3A_367, %dma_start3A_370] : memref<819200x128xf32, #tpu.memory_space<hbm>> -> memref<256x128xf32, #tpu.memory_space<hbm>>
      tpu.enqueue_dma source(%arg6 : memref<256x128xf32, #tpu.memory_space<vmem>>) target(%dma_start3A_371 : memref<256x128xf32, #tpu.memory_space<hbm>>) target_semaphore(%arg10 : memref<!tpu.dma_semaphore, #tpu.memory_space<semaphore_mem>>)
      %dma_wait3A_372 = arith.constant 0 : i32
      %dma_wait3A_373 = tpu.memref_slice %arg4[%mul3A_4, %dma_wait3A_372] : memref<819200x128xf32, #tpu.memory_space<hbm>> -> memref<256x128xf32, #tpu.memory_space<hbm>>
      %dma_wait3A_374 = arith.constant 0 : i32
      %dma_wait3A_375 = tpu.memref_slice %arg4[%mul3A_4, %dma_wait3A_374] : memref<819200x128xf32, #tpu.memory_space<hbm>> -> memref<256x128xf32, #tpu.memory_space<hbm>>
      tpu.wait_dma2 semaphore(%arg12 : memref<!tpu.dma_semaphore, #tpu.memory_space<semaphore_mem>>) src(%arg8 : memref<256x128xf32, #tpu.memory_space<vmem>>) dst(%dma_wait3A_375 : memref<256x128xf32, #tpu.memory_space<hbm>>)
      %add3A_376 = arith.constant 2 : i32
      %add3A_377 = arith.addi %add3A_358, %add3A_376 : i32
      %mul3A_378 = arith.constant 2 : i32
      %mul3A_379 = arith.muli %add3A_377, %mul3A_378 : i32
      %add3A_380 = arith.constant 0 : i32
      %add3A_381 = arith.addi %mul3A_379, %add3A_380 : i32
      %dma_start3A_382 = arith.constant 0 : i32
      %dma_start3A_383 = arith.constant 0 : i32
      %dma_start3A_384 = tpu.memref_slice %arg8[%dma_start3A_382, %dma_start3A_383] : memref<256x128xf32, #tpu.memory_space<vmem>> -> memref<128x128xf32, #tpu.memory_space<vmem>>
      %dma_start3A_385 = arith.constant 0 : i32
      %dma_start3A_386 = tpu.memref_slice %arg5[%add3A_381, %dma_start3A_385] : memref<200x128xi32, #tpu.memory_space<vmem>> -> memref<1x128xi32, #tpu.memory_space<vmem>>
      %dma_start3A_387 = tpu.memref_squeeze %dma_start3A_386 : memref<1x128xi32, #tpu.memory_space<vmem>> -> memref<128xi32, #tpu.memory_space<vmem>>
      %dma_start3A_388 = arith.constant 0 : i32
      %dma_start3A_389 = arith.constant 0 : i32
      %dma_start3A_390 = tpu.memref_slice %arg3[%dma_start3A_388, %dma_start3A_389] : memref<1000000x128xf32, #tpu.memory_space<hbm>> -> memref<1000000x128xf32, #tpu.memory_space<hbm>>
      tpu.enqueue_indirect_dma source(%dma_start3A_390 : memref<1000000x128xf32, #tpu.memory_space<hbm>>) target(%dma_start3A_384 : memref<128x128xf32, #tpu.memory_space<vmem>>) offsets(%dma_start3A_387 : memref<128xi32, #tpu.memory_space<vmem>>) semaphore(%arg9 : memref<!tpu.dma_semaphore, #tpu.memory_space<semaphore_mem>>)
      %mul3A_391 = arith.constant 2 : i32
      %mul3A_392 = arith.muli %add3A_377, %mul3A_391 : i32
      %add3A_393 = arith.constant 1 : i32
      %add3A_394 = arith.addi %mul3A_392, %add3A_393 : i32
      %dma_start3A_395 = arith.constant 128 : i32
      %dma_start3A_396 = arith.constant 0 : i32
      %dma_start3A_397 = tpu.memref_slice %arg8[%dma_start3A_395, %dma_start3A_396] : memref<256x128xf32, #tpu.memory_space<vmem>> -> memref<128x128xf32, #tpu.memory_space<vmem>>
      %dma_start3A_398 = arith.constant 0 : i32
      %dma_start3A_399 = tpu.memref_slice %arg5[%add3A_394, %dma_start3A_398] : memref<200x128xi32, #tpu.memory_space<vmem>> -> memref<1x128xi32, #tpu.memory_space<vmem>>
      %dma_start3A_400 = tpu.memref_squeeze %dma_start3A_399 : memref<1x128xi32, #tpu.memory_space<vmem>> -> memref<128xi32, #tpu.memory_space<vmem>>
      %dma_start3A_401 = arith.constant 0 : i32
      %dma_start3A_402 = arith.constant 0 : i32
      %dma_start3A_403 = tpu.memref_slice %arg3[%dma_start3A_401, %dma_start3A_402] : memref<1000000x128xf32, #tpu.memory_space<hbm>> -> memref<1000000x128xf32, #tpu.memory_space<hbm>>
      tpu.enqueue_indirect_dma source(%dma_start3A_403 : memref<1000000x128xf32, #tpu.memory_space<hbm>>) target(%dma_start3A_397 : memref<128x128xf32, #tpu.memory_space<vmem>>) offsets(%dma_start3A_400 : memref<128xi32, #tpu.memory_space<vmem>>) semaphore(%arg9 : memref<!tpu.dma_semaphore, #tpu.memory_space<semaphore_mem>>)
    }
    %scan3A_79 = arith.constant 31 : i32
    %dma_wait3A_80 = arith.constant 0 : i32
    %dma_wait3A_81 = arith.constant 0 : i32
    %dma_wait3A_82 = tpu.memref_slice %arg3[%dma_wait3A_80, %dma_wait3A_81] : memref<1000000x128xf32, #tpu.memory_space<hbm>> -> memref<256x128xf32, #tpu.memory_space<hbm>>
    %dma_wait3A_83 = arith.constant 0 : i32
    %dma_wait3A_84 = arith.constant 0 : i32
    %dma_wait3A_85 = tpu.memref_slice %arg3[%dma_wait3A_83, %dma_wait3A_84] : memref<1000000x128xf32, #tpu.memory_space<hbm>> -> memref<256x128xf32, #tpu.memory_space<hbm>>
    tpu.wait_dma2 semaphore(%arg9 : memref<!tpu.dma_semaphore, #tpu.memory_space<semaphore_mem>>) src(%dma_wait3A_85 : memref<256x128xf32, #tpu.memory_space<hbm>>) dst(%arg7 : memref<256x128xf32, #tpu.memory_space<vmem>>)
    %add3A_86 = arith.constant 24064 : i32
    %add3A_87 = arith.addi %mul3A_4, %add3A_86 : i32
    %dma_start3A_88 = arith.constant 0 : i32
    %dma_start3A_89 = tpu.memref_slice %arg4[%add3A_87, %dma_start3A_88] : memref<819200x128xf32, #tpu.memory_space<hbm>> -> memref<256x128xf32, #tpu.memory_space<hbm>>
    %dma_start3A_90 = arith.constant 0 : i32
    %dma_start3A_91 = tpu.memref_slice %arg4[%add3A_87, %dma_start3A_90] : memref<819200x128xf32, #tpu.memory_space<hbm>> -> memref<256x128xf32, #tpu.memory_space<hbm>>
    tpu.enqueue_dma source(%arg7 : memref<256x128xf32, #tpu.memory_space<vmem>>) target(%dma_start3A_91 : memref<256x128xf32, #tpu.memory_space<hbm>>) target_semaphore(%arg11 : memref<!tpu.dma_semaphore, #tpu.memory_space<semaphore_mem>>)
    %dma_wait3A_92 = arith.constant 0 : i32
    %dma_wait3A_93 = tpu.memref_slice %arg4[%mul3A_4, %dma_wait3A_92] : memref<819200x128xf32, #tpu.memory_space<hbm>> -> memref<256x128xf32, #tpu.memory_space<hbm>>
    %dma_wait3A_94 = arith.constant 0 : i32
    %dma_wait3A_95 = tpu.memref_slice %arg4[%mul3A_4, %dma_wait3A_94] : memref<819200x128xf32, #tpu.memory_space<hbm>> -> memref<256x128xf32, #tpu.memory_space<hbm>>
    tpu.wait_dma2 semaphore(%arg10 : memref<!tpu.dma_semaphore, #tpu.memory_space<semaphore_mem>>) src(%arg6 : memref<256x128xf32, #tpu.memory_space<vmem>>) dst(%dma_wait3A_95 : memref<256x128xf32, #tpu.memory_space<hbm>>)
    %dma_start3A_96 = arith.constant 192 : i32
    %dma_start3A_97 = arith.constant 0 : i32
    %dma_start3A_98 = arith.constant 0 : i32
    %dma_start3A_99 = tpu.memref_slice %arg6[%dma_start3A_97, %dma_start3A_98] : memref<256x128xf32, #tpu.memory_space<vmem>> -> memref<128x128xf32, #tpu.memory_space<vmem>>
    %dma_start3A_100 = arith.constant 0 : i32
    %dma_start3A_101 = tpu.memref_slice %arg5[%dma_start3A_96, %dma_start3A_100] : memref<200x128xi32, #tpu.memory_space<vmem>> -> memref<1x128xi32, #tpu.memory_space<vmem>>
    %dma_start3A_102 = tpu.memref_squeeze %dma_start3A_101 : memref<1x128xi32, #tpu.memory_space<vmem>> -> memref<128xi32, #tpu.memory_space<vmem>>
    %dma_start3A_103 = arith.constant 0 : i32
    %dma_start3A_104 = arith.constant 0 : i32
    %dma_start3A_105 = tpu.memref_slice %arg3[%dma_start3A_103, %dma_start3A_104] : memref<1000000x128xf32, #tpu.memory_space<hbm>> -> memref<1000000x128xf32, #tpu.memory_space<hbm>>
    tpu.enqueue_indirect_dma source(%dma_start3A_105 : memref<1000000x128xf32, #tpu.memory_space<hbm>>) target(%dma_start3A_99 : memref<128x128xf32, #tpu.memory_space<vmem>>) offsets(%dma_start3A_102 : memref<128xi32, #tpu.memory_space<vmem>>) semaphore(%arg9 : memref<!tpu.dma_semaphore, #tpu.memory_space<semaphore_mem>>)
    %dma_start3A_106 = arith.constant 193 : i32
    %dma_start3A_107 = arith.constant 128 : i32
    %dma_start3A_108 = arith.constant 0 : i32
    %dma_start3A_109 = tpu.memref_slice %arg6[%dma_start3A_107, %dma_start3A_108] : memref<256x128xf32, #tpu.memory_space<vmem>> -> memref<128x128xf32, #tpu.memory_space<vmem>>
    %dma_start3A_110 = arith.constant 0 : i32
    %dma_start3A_111 = tpu.memref_slice %arg5[%dma_start3A_106, %dma_start3A_110] : memref<200x128xi32, #tpu.memory_space<vmem>> -> memref<1x128xi32, #tpu.memory_space<vmem>>
    %dma_start3A_112 = tpu.memref_squeeze %dma_start3A_111 : memref<1x128xi32, #tpu.memory_space<vmem>> -> memref<128xi32, #tpu.memory_space<vmem>>
    %dma_start3A_113 = arith.constant 0 : i32
    %dma_start3A_114 = arith.constant 0 : i32
    %dma_start3A_115 = tpu.memref_slice %arg3[%dma_start3A_113, %dma_start3A_114] : memref<1000000x128xf32, #tpu.memory_space<hbm>> -> memref<1000000x128xf32, #tpu.memory_space<hbm>>
    tpu.enqueue_indirect_dma source(%dma_start3A_115 : memref<1000000x128xf32, #tpu.memory_space<hbm>>) target(%dma_start3A_109 : memref<128x128xf32, #tpu.memory_space<vmem>>) offsets(%dma_start3A_112 : memref<128xi32, #tpu.memory_space<vmem>>) semaphore(%arg9 : memref<!tpu.dma_semaphore, #tpu.memory_space<semaphore_mem>>)
    %dma_wait3A_116 = arith.constant 0 : i32
    %dma_wait3A_117 = arith.constant 0 : i32
    %dma_wait3A_118 = tpu.memref_slice %arg3[%dma_wait3A_116, %dma_wait3A_117] : memref<1000000x128xf32, #tpu.memory_space<hbm>> -> memref<256x128xf32, #tpu.memory_space<hbm>>
    %dma_wait3A_119 = arith.constant 0 : i32
    %dma_wait3A_120 = arith.constant 0 : i32
    %dma_wait3A_121 = tpu.memref_slice %arg3[%dma_wait3A_119, %dma_wait3A_120] : memref<1000000x128xf32, #tpu.memory_space<hbm>> -> memref<256x128xf32, #tpu.memory_space<hbm>>
    tpu.wait_dma2 semaphore(%arg9 : memref<!tpu.dma_semaphore, #tpu.memory_space<semaphore_mem>>) src(%dma_wait3A_121 : memref<256x128xf32, #tpu.memory_space<hbm>>) dst(%arg8 : memref<256x128xf32, #tpu.memory_space<vmem>>)
    %add3A_122 = arith.constant 24320 : i32
    %add3A_123 = arith.addi %mul3A_4, %add3A_122 : i32
    %dma_start3A_124 = arith.constant 0 : i32
    %dma_start3A_125 = tpu.memref_slice %arg4[%add3A_123, %dma_start3A_124] : memref<819200x128xf32, #tpu.memory_space<hbm>> -> memref<256x128xf32, #tpu.memory_space<hbm>>
    %dma_start3A_126 = arith.constant 0 : i32
    %dma_start3A_127 = tpu.memref_slice %arg4[%add3A_123, %dma_start3A_126] : memref<819200x128xf32, #tpu.memory_space<hbm>> -> memref<256x128xf32, #tpu.memory_space<hbm>>
    tpu.enqueue_dma source(%arg8 : memref<256x128xf32, #tpu.memory_space<vmem>>) target(%dma_start3A_127 : memref<256x128xf32, #tpu.memory_space<hbm>>) target_semaphore(%arg12 : memref<!tpu.dma_semaphore, #tpu.memory_space<semaphore_mem>>)
    %dma_wait3A_128 = arith.constant 0 : i32
    %dma_wait3A_129 = tpu.memref_slice %arg4[%mul3A_4, %dma_wait3A_128] : memref<819200x128xf32, #tpu.memory_space<hbm>> -> memref<256x128xf32, #tpu.memory_space<hbm>>
    %dma_wait3A_130 = arith.constant 0 : i32
    %dma_wait3A_131 = tpu.memref_slice %arg4[%mul3A_4, %dma_wait3A_130] : memref<819200x128xf32, #tpu.memory_space<hbm>> -> memref<256x128xf32, #tpu.memory_space<hbm>>
    tpu.wait_dma2 semaphore(%arg11 : memref<!tpu.dma_semaphore, #tpu.memory_space<semaphore_mem>>) src(%arg7 : memref<256x128xf32, #tpu.memory_space<vmem>>) dst(%dma_wait3A_131 : memref<256x128xf32, #tpu.memory_space<hbm>>)
    %dma_start3A_132 = arith.constant 194 : i32
    %dma_start3A_133 = arith.constant 0 : i32
    %dma_start3A_134 = arith.constant 0 : i32
    %dma_start3A_135 = tpu.memref_slice %arg7[%dma_start3A_133, %dma_start3A_134] : memref<256x128xf32, #tpu.memory_space<vmem>> -> memref<128x128xf32, #tpu.memory_space<vmem>>
    %dma_start3A_136 = arith.constant 0 : i32
    %dma_start3A_137 = tpu.memref_slice %arg5[%dma_start3A_132, %dma_start3A_136] : memref<200x128xi32, #tpu.memory_space<vmem>> -> memref<1x128xi32, #tpu.memory_space<vmem>>
    %dma_start3A_138 = tpu.memref_squeeze %dma_start3A_137 : memref<1x128xi32, #tpu.memory_space<vmem>> -> memref<128xi32, #tpu.memory_space<vmem>>
    %dma_start3A_139 = arith.constant 0 : i32
    %dma_start3A_140 = arith.constant 0 : i32
    %dma_start3A_141 = tpu.memref_slice %arg3[%dma_start3A_139, %dma_start3A_140] : memref<1000000x128xf32, #tpu.memory_space<hbm>> -> memref<1000000x128xf32, #tpu.memory_space<hbm>>
    tpu.enqueue_indirect_dma source(%dma_start3A_141 : memref<1000000x128xf32, #tpu.memory_space<hbm>>) target(%dma_start3A_135 : memref<128x128xf32, #tpu.memory_space<vmem>>) offsets(%dma_start3A_138 : memref<128xi32, #tpu.memory_space<vmem>>) semaphore(%arg9 : memref<!tpu.dma_semaphore, #tpu.memory_space<semaphore_mem>>)
    %dma_start3A_142 = arith.constant 195 : i32
    %dma_start3A_143 = arith.constant 128 : i32
    %dma_start3A_144 = arith.constant 0 : i32
    %dma_start3A_145 = tpu.memref_slice %arg7[%dma_start3A_143, %dma_start3A_144] : memref<256x128xf32, #tpu.memory_space<vmem>> -> memref<128x128xf32, #tpu.memory_space<vmem>>
    %dma_start3A_146 = arith.constant 0 : i32
    %dma_start3A_147 = tpu.memref_slice %arg5[%dma_start3A_142, %dma_start3A_146] : memref<200x128xi32, #tpu.memory_space<vmem>> -> memref<1x128xi32, #tpu.memory_space<vmem>>
    %dma_start3A_148 = tpu.memref_squeeze %dma_start3A_147 : memref<1x128xi32, #tpu.memory_space<vmem>> -> memref<128xi32, #tpu.memory_space<vmem>>
    %dma_start3A_149 = arith.constant 0 : i32
    %dma_start3A_150 = arith.constant 0 : i32
    %dma_start3A_151 = tpu.memref_slice %arg3[%dma_start3A_149, %dma_start3A_150] : memref<1000000x128xf32, #tpu.memory_space<hbm>> -> memref<1000000x128xf32, #tpu.memory_space<hbm>>
    tpu.enqueue_indirect_dma source(%dma_start3A_151 : memref<1000000x128xf32, #tpu.memory_space<hbm>>) target(%dma_start3A_145 : memref<128x128xf32, #tpu.memory_space<vmem>>) offsets(%dma_start3A_148 : memref<128xi32, #tpu.memory_space<vmem>>) semaphore(%arg9 : memref<!tpu.dma_semaphore, #tpu.memory_space<semaphore_mem>>)
    %dma_wait3A_152 = arith.constant 0 : i32
    %dma_wait3A_153 = arith.constant 0 : i32
    %dma_wait3A_154 = tpu.memref_slice %arg3[%dma_wait3A_152, %dma_wait3A_153] : memref<1000000x128xf32, #tpu.memory_space<hbm>> -> memref<256x128xf32, #tpu.memory_space<hbm>>
    %dma_wait3A_155 = arith.constant 0 : i32
    %dma_wait3A_156 = arith.constant 0 : i32
    %dma_wait3A_157 = tpu.memref_slice %arg3[%dma_wait3A_155, %dma_wait3A_156] : memref<1000000x128xf32, #tpu.memory_space<hbm>> -> memref<256x128xf32, #tpu.memory_space<hbm>>
    tpu.wait_dma2 semaphore(%arg9 : memref<!tpu.dma_semaphore, #tpu.memory_space<semaphore_mem>>) src(%dma_wait3A_157 : memref<256x128xf32, #tpu.memory_space<hbm>>) dst(%arg6 : memref<256x128xf32, #tpu.memory_space<vmem>>)
    %add3A_158 = arith.constant 24576 : i32
    %add3A_159 = arith.addi %mul3A_4, %add3A_158 : i32
    %dma_start3A_160 = arith.constant 0 : i32
    %dma_start3A_161 = tpu.memref_slice %arg4[%add3A_159, %dma_start3A_160] : memref<819200x128xf32, #tpu.memory_space<hbm>> -> memref<256x128xf32, #tpu.memory_space<hbm>>
    %dma_start3A_162 = arith.constant 0 : i32
    %dma_start3A_163 = tpu.memref_slice %arg4[%add3A_159, %dma_start3A_162] : memref<819200x128xf32, #tpu.memory_space<hbm>> -> memref<256x128xf32, #tpu.memory_space<hbm>>
    tpu.enqueue_dma source(%arg6 : memref<256x128xf32, #tpu.memory_space<vmem>>) target(%dma_start3A_163 : memref<256x128xf32, #tpu.memory_space<hbm>>) target_semaphore(%arg10 : memref<!tpu.dma_semaphore, #tpu.memory_space<semaphore_mem>>)
    %dma_wait3A_164 = arith.constant 0 : i32
    %dma_wait3A_165 = tpu.memref_slice %arg4[%mul3A_4, %dma_wait3A_164] : memref<819200x128xf32, #tpu.memory_space<hbm>> -> memref<256x128xf32, #tpu.memory_space<hbm>>
    %dma_wait3A_166 = arith.constant 0 : i32
    %dma_wait3A_167 = tpu.memref_slice %arg4[%mul3A_4, %dma_wait3A_166] : memref<819200x128xf32, #tpu.memory_space<hbm>> -> memref<256x128xf32, #tpu.memory_space<hbm>>
    tpu.wait_dma2 semaphore(%arg12 : memref<!tpu.dma_semaphore, #tpu.memory_space<semaphore_mem>>) src(%arg8 : memref<256x128xf32, #tpu.memory_space<vmem>>) dst(%dma_wait3A_167 : memref<256x128xf32, #tpu.memory_space<hbm>>)
    %dma_start3A_168 = arith.constant 196 : i32
    %dma_start3A_169 = arith.constant 0 : i32
    %dma_start3A_170 = arith.constant 0 : i32
    %dma_start3A_171 = tpu.memref_slice %arg8[%dma_start3A_169, %dma_start3A_170] : memref<256x128xf32, #tpu.memory_space<vmem>> -> memref<128x128xf32, #tpu.memory_space<vmem>>
    %dma_start3A_172 = arith.constant 0 : i32
    %dma_start3A_173 = tpu.memref_slice %arg5[%dma_start3A_168, %dma_start3A_172] : memref<200x128xi32, #tpu.memory_space<vmem>> -> memref<1x128xi32, #tpu.memory_space<vmem>>
    %dma_start3A_174 = tpu.memref_squeeze %dma_start3A_173 : memref<1x128xi32, #tpu.memory_space<vmem>> -> memref<128xi32, #tpu.memory_space<vmem>>
    %dma_start3A_175 = arith.constant 0 : i32
    %dma_start3A_176 = arith.constant 0 : i32
    %dma_start3A_177 = tpu.memref_slice %arg3[%dma_start3A_175, %dma_start3A_176] : memref<1000000x128xf32, #tpu.memory_space<hbm>> -> memref<1000000x128xf32, #tpu.memory_space<hbm>>
    tpu.enqueue_indirect_dma source(%dma_start3A_177 : memref<1000000x128xf32, #tpu.memory_space<hbm>>) target(%dma_start3A_171 : memref<128x128xf32, #tpu.memory_space<vmem>>) offsets(%dma_start3A_174 : memref<128xi32, #tpu.memory_space<vmem>>) semaphore(%arg9 : memref<!tpu.dma_semaphore, #tpu.memory_space<semaphore_mem>>)
    %dma_start3A_178 = arith.constant 197 : i32
    %dma_start3A_179 = arith.constant 128 : i32
    %dma_start3A_180 = arith.constant 0 : i32
    %dma_start3A_181 = tpu.memref_slice %arg8[%dma_start3A_179, %dma_start3A_180] : memref<256x128xf32, #tpu.memory_space<vmem>> -> memref<128x128xf32, #tpu.memory_space<vmem>>
    %dma_start3A_182 = arith.constant 0 : i32
    %dma_start3A_183 = tpu.memref_slice %arg5[%dma_start3A_178, %dma_start3A_182] : memref<200x128xi32, #tpu.memory_space<vmem>> -> memref<1x128xi32, #tpu.memory_space<vmem>>
    %dma_start3A_184 = tpu.memref_squeeze %dma_start3A_183 : memref<1x128xi32, #tpu.memory_space<vmem>> -> memref<128xi32, #tpu.memory_space<vmem>>
    %dma_start3A_185 = arith.constant 0 : i32
    %dma_start3A_186 = arith.constant 0 : i32
    %dma_start3A_187 = tpu.memref_slice %arg3[%dma_start3A_185, %dma_start3A_186] : memref<1000000x128xf32, #tpu.memory_space<hbm>> -> memref<1000000x128xf32, #tpu.memory_space<hbm>>
    tpu.enqueue_indirect_dma source(%dma_start3A_187 : memref<1000000x128xf32, #tpu.memory_space<hbm>>) target(%dma_start3A_181 : memref<128x128xf32, #tpu.memory_space<vmem>>) offsets(%dma_start3A_184 : memref<128xi32, #tpu.memory_space<vmem>>) semaphore(%arg9 : memref<!tpu.dma_semaphore, #tpu.memory_space<semaphore_mem>>)
    %dma_wait3A_188 = arith.constant 0 : i32
    %dma_wait3A_189 = arith.constant 0 : i32
    %dma_wait3A_190 = tpu.memref_slice %arg3[%dma_wait3A_188, %dma_wait3A_189] : memref<1000000x128xf32, #tpu.memory_space<hbm>> -> memref<256x128xf32, #tpu.memory_space<hbm>>
    %dma_wait3A_191 = arith.constant 0 : i32
    %dma_wait3A_192 = arith.constant 0 : i32
    %dma_wait3A_193 = tpu.memref_slice %arg3[%dma_wait3A_191, %dma_wait3A_192] : memref<1000000x128xf32, #tpu.memory_space<hbm>> -> memref<256x128xf32, #tpu.memory_space<hbm>>
    tpu.wait_dma2 semaphore(%arg9 : memref<!tpu.dma_semaphore, #tpu.memory_space<semaphore_mem>>) src(%dma_wait3A_193 : memref<256x128xf32, #tpu.memory_space<hbm>>) dst(%arg7 : memref<256x128xf32, #tpu.memory_space<vmem>>)
    %add3A_194 = arith.constant 24832 : i32
    %add3A_195 = arith.addi %mul3A_4, %add3A_194 : i32
    %dma_start3A_196 = arith.constant 0 : i32
    %dma_start3A_197 = tpu.memref_slice %arg4[%add3A_195, %dma_start3A_196] : memref<819200x128xf32, #tpu.memory_space<hbm>> -> memref<256x128xf32, #tpu.memory_space<hbm>>
    %dma_start3A_198 = arith.constant 0 : i32
    %dma_start3A_199 = tpu.memref_slice %arg4[%add3A_195, %dma_start3A_198] : memref<819200x128xf32, #tpu.memory_space<hbm>> -> memref<256x128xf32, #tpu.memory_space<hbm>>
    tpu.enqueue_dma source(%arg7 : memref<256x128xf32, #tpu.memory_space<vmem>>) target(%dma_start3A_199 : memref<256x128xf32, #tpu.memory_space<hbm>>) target_semaphore(%arg11 : memref<!tpu.dma_semaphore, #tpu.memory_space<semaphore_mem>>)
    %dma_wait3A_200 = arith.constant 0 : i32
    %dma_wait3A_201 = tpu.memref_slice %arg4[%mul3A_4, %dma_wait3A_200] : memref<819200x128xf32, #tpu.memory_space<hbm>> -> memref<256x128xf32, #tpu.memory_space<hbm>>
    %dma_wait3A_202 = arith.constant 0 : i32
    %dma_wait3A_203 = tpu.memref_slice %arg4[%mul3A_4, %dma_wait3A_202] : memref<819200x128xf32, #tpu.memory_space<hbm>> -> memref<256x128xf32, #tpu.memory_space<hbm>>
    tpu.wait_dma2 semaphore(%arg10 : memref<!tpu.dma_semaphore, #tpu.memory_space<semaphore_mem>>) src(%arg6 : memref<256x128xf32, #tpu.memory_space<vmem>>) dst(%dma_wait3A_203 : memref<256x128xf32, #tpu.memory_space<hbm>>)
    %dma_start3A_204 = arith.constant 198 : i32
    %dma_start3A_205 = arith.constant 0 : i32
    %dma_start3A_206 = arith.constant 0 : i32
    %dma_start3A_207 = tpu.memref_slice %arg6[%dma_start3A_205, %dma_start3A_206] : memref<256x128xf32, #tpu.memory_space<vmem>> -> memref<128x128xf32, #tpu.memory_space<vmem>>
    %dma_start3A_208 = arith.constant 0 : i32
    %dma_start3A_209 = tpu.memref_slice %arg5[%dma_start3A_204, %dma_start3A_208] : memref<200x128xi32, #tpu.memory_space<vmem>> -> memref<1x128xi32, #tpu.memory_space<vmem>>
    %dma_start3A_210 = tpu.memref_squeeze %dma_start3A_209 : memref<1x128xi32, #tpu.memory_space<vmem>> -> memref<128xi32, #tpu.memory_space<vmem>>
    %dma_start3A_211 = arith.constant 0 : i32
    %dma_start3A_212 = arith.constant 0 : i32
    %dma_start3A_213 = tpu.memref_slice %arg3[%dma_start3A_211, %dma_start3A_212] : memref<1000000x128xf32, #tpu.memory_space<hbm>> -> memref<1000000x128xf32, #tpu.memory_space<hbm>>
    tpu.enqueue_indirect_dma source(%dma_start3A_213 : memref<1000000x128xf32, #tpu.memory_space<hbm>>) target(%dma_start3A_207 : memref<128x128xf32, #tpu.memory_space<vmem>>) offsets(%dma_start3A_210 : memref<128xi32, #tpu.memory_space<vmem>>) semaphore(%arg9 : memref<!tpu.dma_semaphore, #tpu.memory_space<semaphore_mem>>)
    %dma_start3A_214 = arith.constant 199 : i32
    %dma_start3A_215 = arith.constant 128 : i32
    %dma_start3A_216 = arith.constant 0 : i32
    %dma_start3A_217 = tpu.memref_slice %arg6[%dma_start3A_215, %dma_start3A_216] : memref<256x128xf32, #tpu.memory_space<vmem>> -> memref<128x128xf32, #tpu.memory_space<vmem>>
    %dma_start3A_218 = arith.constant 0 : i32
    %dma_start3A_219 = tpu.memref_slice %arg5[%dma_start3A_214, %dma_start3A_218] : memref<200x128xi32, #tpu.memory_space<vmem>> -> memref<1x128xi32, #tpu.memory_space<vmem>>
    %dma_start3A_220 = tpu.memref_squeeze %dma_start3A_219 : memref<1x128xi32, #tpu.memory_space<vmem>> -> memref<128xi32, #tpu.memory_space<vmem>>
    %dma_start3A_221 = arith.constant 0 : i32
    %dma_start3A_222 = arith.constant 0 : i32
    %dma_start3A_223 = tpu.memref_slice %arg3[%dma_start3A_221, %dma_start3A_222] : memref<1000000x128xf32, #tpu.memory_space<hbm>> -> memref<1000000x128xf32, #tpu.memory_space<hbm>>
    tpu.enqueue_indirect_dma source(%dma_start3A_223 : memref<1000000x128xf32, #tpu.memory_space<hbm>>) target(%dma_start3A_217 : memref<128x128xf32, #tpu.memory_space<vmem>>) offsets(%dma_start3A_220 : memref<128xi32, #tpu.memory_space<vmem>>) semaphore(%arg9 : memref<!tpu.dma_semaphore, #tpu.memory_space<semaphore_mem>>)
    %dma_wait3A_224 = arith.constant 0 : i32
    %dma_wait3A_225 = arith.constant 0 : i32
    %dma_wait3A_226 = tpu.memref_slice %arg3[%dma_wait3A_224, %dma_wait3A_225] : memref<1000000x128xf32, #tpu.memory_space<hbm>> -> memref<256x128xf32, #tpu.memory_space<hbm>>
    %dma_wait3A_227 = arith.constant 0 : i32
    %dma_wait3A_228 = arith.constant 0 : i32
    %dma_wait3A_229 = tpu.memref_slice %arg3[%dma_wait3A_227, %dma_wait3A_228] : memref<1000000x128xf32, #tpu.memory_space<hbm>> -> memref<256x128xf32, #tpu.memory_space<hbm>>
    tpu.wait_dma2 semaphore(%arg9 : memref<!tpu.dma_semaphore, #tpu.memory_space<semaphore_mem>>) src(%dma_wait3A_229 : memref<256x128xf32, #tpu.memory_space<hbm>>) dst(%arg8 : memref<256x128xf32, #tpu.memory_space<vmem>>)
    %add3A_230 = arith.constant 25088 : i32
    %add3A_231 = arith.addi %mul3A_4, %add3A_230 : i32
    %dma_start3A_232 = arith.constant 0 : i32
    %dma_start3A_233 = tpu.memref_slice %arg4[%add3A_231, %dma_start3A_232] : memref<819200x128xf32, #tpu.memory_space<hbm>> -> memref<256x128xf32, #tpu.memory_space<hbm>>
    %dma_start3A_234 = arith.constant 0 : i32
    %dma_start3A_235 = tpu.memref_slice %arg4[%add3A_231, %dma_start3A_234] : memref<819200x128xf32, #tpu.memory_space<hbm>> -> memref<256x128xf32, #tpu.memory_space<hbm>>
    tpu.enqueue_dma source(%arg8 : memref<256x128xf32, #tpu.memory_space<vmem>>) target(%dma_start3A_235 : memref<256x128xf32, #tpu.memory_space<hbm>>) target_semaphore(%arg12 : memref<!tpu.dma_semaphore, #tpu.memory_space<semaphore_mem>>)
    %dma_wait3A_236 = arith.constant 0 : i32
    %dma_wait3A_237 = arith.constant 0 : i32
    %dma_wait3A_238 = tpu.memref_slice %arg3[%dma_wait3A_236, %dma_wait3A_237] : memref<1000000x128xf32, #tpu.memory_space<hbm>> -> memref<256x128xf32, #tpu.memory_space<hbm>>
    %dma_wait3A_239 = arith.constant 0 : i32
    %dma_wait3A_240 = arith.constant 0 : i32
    %dma_wait3A_241 = tpu.memref_slice %arg3[%dma_wait3A_239, %dma_wait3A_240] : memref<1000000x128xf32, #tpu.memory_space<hbm>> -> memref<256x128xf32, #tpu.memory_space<hbm>>
    tpu.wait_dma2 semaphore(%arg9 : memref<!tpu.dma_semaphore, #tpu.memory_space<semaphore_mem>>) src(%dma_wait3A_241 : memref<256x128xf32, #tpu.memory_space<hbm>>) dst(%arg6 : memref<256x128xf32, #tpu.memory_space<vmem>>)
    %add3A_242 = arith.constant 25344 : i32
    %add3A_243 = arith.addi %mul3A_4, %add3A_242 : i32
    %dma_start3A_244 = arith.constant 0 : i32
    %dma_start3A_245 = tpu.memref_slice %arg4[%add3A_243, %dma_start3A_244] : memref<819200x128xf32, #tpu.memory_space<hbm>> -> memref<256x128xf32, #tpu.memory_space<hbm>>
    %dma_start3A_246 = arith.constant 0 : i32
    %dma_start3A_247 = tpu.memref_slice %arg4[%add3A_243, %dma_start3A_246] : memref<819200x128xf32, #tpu.memory_space<hbm>> -> memref<256x128xf32, #tpu.memory_space<hbm>>
    tpu.enqueue_dma source(%arg6 : memref<256x128xf32, #tpu.memory_space<vmem>>) target(%dma_start3A_247 : memref<256x128xf32, #tpu.memory_space<hbm>>) target_semaphore(%arg10 : memref<!tpu.dma_semaphore, #tpu.memory_space<semaphore_mem>>)
    %dma_wait3A_248 = arith.constant 0 : i32
    %dma_wait3A_249 = tpu.memref_slice %arg4[%mul3A_4, %dma_wait3A_248] : memref<819200x128xf32, #tpu.memory_space<hbm>> -> memref<256x128xf32, #tpu.memory_space<hbm>>
    %dma_wait3A_250 = arith.constant 0 : i32
    %dma_wait3A_251 = tpu.memref_slice %arg4[%mul3A_4, %dma_wait3A_250] : memref<819200x128xf32, #tpu.memory_space<hbm>> -> memref<256x128xf32, #tpu.memory_space<hbm>>
    tpu.wait_dma2 semaphore(%arg11 : memref<!tpu.dma_semaphore, #tpu.memory_space<semaphore_mem>>) src(%arg7 : memref<256x128xf32, #tpu.memory_space<vmem>>) dst(%dma_wait3A_251 : memref<256x128xf32, #tpu.memory_space<hbm>>)
    %dma_wait3A_252 = arith.constant 0 : i32
    %dma_wait3A_253 = tpu.memref_slice %arg4[%mul3A_4, %dma_wait3A_252] : memref<819200x128xf32, #tpu.memory_space<hbm>> -> memref<256x128xf32, #tpu.memory_space<hbm>>
    %dma_wait3A_254 = arith.constant 0 : i32
    %dma_wait3A_255 = tpu.memref_slice %arg4[%mul3A_4, %dma_wait3A_254] : memref<819200x128xf32, #tpu.memory_space<hbm>> -> memref<256x128xf32, #tpu.memory_space<hbm>>
    tpu.wait_dma2 semaphore(%arg12 : memref<!tpu.dma_semaphore, #tpu.memory_space<semaphore_mem>>) src(%arg8 : memref<256x128xf32, #tpu.memory_space<vmem>>) dst(%dma_wait3A_255 : memref<256x128xf32, #tpu.memory_space<hbm>>)
    %dma_wait3A_256 = arith.constant 0 : i32
    %dma_wait3A_257 = tpu.memref_slice %arg4[%mul3A_4, %dma_wait3A_256] : memref<819200x128xf32, #tpu.memory_space<hbm>> -> memref<256x128xf32, #tpu.memory_space<hbm>>
    %dma_wait3A_258 = arith.constant 0 : i32
    %dma_wait3A_259 = tpu.memref_slice %arg4[%mul3A_4, %dma_wait3A_258] : memref<819200x128xf32, #tpu.memory_space<hbm>> -> memref<256x128xf32, #tpu.memory_space<hbm>>
    tpu.wait_dma2 semaphore(%arg10 : memref<!tpu.dma_semaphore, #tpu.memory_space<semaphore_mem>>) src(%arg6 : memref<256x128xf32, #tpu.memory_space<vmem>>) dst(%dma_wait3A_259 : memref<256x128xf32, #tpu.memory_space<hbm>>)
    return
  }
}

</mosaic_0001>

<sc_bundles>
// kernel: kernel.3.cloned.1.call-start
scs
__scs_entry_jumppad:
0x0: {  	(pc) =	sbr.rel $0x88, $3  }
0x1: {  	(tag) =	ssettag $0x0;
	lr =	simm.s32 $0x1  }
0x2: {  	[smem:$0x3F9F] =	sst lr;
	_ =	strace $0xD0000000  }
0x3: {  	_ = 	snop  }
0x4: {  	_ = 	snop  }
0x5: {  	_ = 	snop  }
0x6: {  	_ = 	snop  }
0x7: {  	_ = 	snop  }
__scs_overlays_trampoline_lowered:
0x8: {  	[smem:$0x3FAE] =	sst s0  }
0x9: {  	[smem:$0x3FAF] =	sst s1  }
0xa: {  	[smem:$0x3FB0] =	sst s2  }
0xb: {  	[smem:$0x3FB1] =	sst s3  }
0xc: {  	[smem:$0x3FB2] =	sst s4  }
0xd: {  	[smem:$0x3FB3] =	sst s5  }
0xe: {  	[smem:$0x3FB4] =	sst s6  }
0xf: {  	[smem:$0x3FB5] =	sst s7  }
0x10: {  	[smem:$0x3FB6] =	sst s8  }
0x11: {  	[smem:$0x3FB7] =	sst s9;
	s0 =	simm.s32 @!p0 $0x0  }
0x12: {  	s1 =	sld [smem:$0x3F9D];
	s0 =	simm.s32 @p0 $0x1  }
0x13: {  	[smem:$0x3FB8] =	sst s0;
	s0 =	simm.s32 @!p1 $0x0  }
0x14: {  	s2 =	sld [smem:$0x3F9C];
	s0 =	simm.s32 @p1 $0x1  }
0x15: {  	[smem:$0x3FB9] =	sst s0;
	s0 =	simm.s32 @!p2 $0x0  }
0x16: {  	s3 =	sld [smem:$0x3FDB];
	s0 =	simm.s32 @p2 $0x1  }
0x17: {  	s4 =	simm.s32 $0x1BF5;
	[smem:$0x3FBB] =	sst s0  }
0x18: {  	s0 =	sld [smem:$0x3F9E];
	_ =	swait.ge [sflag:s4], $0x0  }
0x19: {  	s7 =	sld [smem:$0x3F9F]  }
0x1a: {  	s8 =	sadd.s32 $0xFFFFE003, lr  }
0x1b: {  	s9 =	sadd.s32 $0xFFFFFEF7, lr;
	s5 =	simm.s32 $0xFFFFFFFF;
	p2 =	slt.u32 s8, $0xFFFFF086  }
0x1c: {  	p1 =	slt.u32 s9, $0xF7A;
	s5 =	simm.s32 @!p2 $0x0  }
0x1d: {  	s5 =	simm.s32 @p1 $0x1;
	p0 =	seq.s32 s7, s2  }
0x1e: {  	s7 =	smul.u32 @!p0 $0xF7A, s2;
	p2 =	seq.s32 @!p0 s5, $0x0  }
0x1f: {  	s9 =	smul.u32 $0xF7A, s1;
	s8 =	simm.s32 @!p0 $0x1BF5;
	p2 =	por !p2, p0  }
0x20: {  	[sflag:s8] =	ssyncset.s32 @!p0 $0xFFFFF086;
	s6 =	sadd.s32 @!p0 s3, s7;
	s7 =	simm.s32 @!p0 $0x108  }
0x21: {  	s3 =	sadd.s32 s3, s9;
	s6 =	sadd.s32 @!p0 $0x88, s6;
	s7 =	simm.s32 @p2 $0x1082  }
0x22: {  	[simem:s7], [sflag:s8] =	dma.local @!p0 [hbm:s6], $0xF7A  }
0x23: {  	s9 =	sor.u32 $0xD0000000, s2;
	s6 =	simm.s32 $0x108;
	_ =	swait.ge @!p0 [sflag:s8], $0x0  }
0x24: {  	s3 =	sadd.s32 $0x88, s3;
	s6 =	simm.s32 @!p1 $0x1082;
	[sflag:s4] =	ssyncset.s32 $0xFFFFF086  }
0x25: {  	[simem:s6], [sflag:s4] =	dma.local [hbm:s3], $0xF7A  }
0x26: {  	[smem:$0x3F9F] =	sst s1;
	(tag) =	ssettag s2;
	_ =	strace s9  }
0x27: {  	s1 =	sld [smem:$0x3FAF]  }
0x28: {  	s2 =	sld [smem:$0x3FB0]  }
0x29: {  	s4 =	sld [smem:$0x3FB2]  }
0x2a: {  	p0 =	seq.s32 s5, $0x0;
	s5 =	sld [smem:$0x3FB3]  }
0x2b: {  	s6 =	sld [smem:$0x3FB4]  }
0x2c: {  	s7 =	sld [smem:$0x3FB5]  }
0x2d: {  	s3 =	simm.s32 $0x108;
	s8 =	sld [smem:$0x3FB6]  }
0x2e: {  	s3 =	simm.s32 @!p0 $0x1082;
	s9 =	sld [smem:$0x3FB7]  }
0x2f: {  	lr =	sadd.s32 s0, s3;
	s0 =	sld [smem:$0x3FAE]  }
0x30: {  	s3 =	sld [smem:$0x3FB1]  }
0x31: {  	[smem:$0x3FBA] =	sst s10  }
0x32: {  	s10 =	sld [smem:$0x3FB8];
	_ =	sdelay $0x3  }
0x33: {  	p0 =	seq.s32 s10, $0x1;
	s10 =	sld [smem:$0x3FBA];
	_ =	sdelay $0x3  }
0x34: {  	[smem:$0x3FBA] =	sst s10  }
0x35: {  	s10 =	sld [smem:$0x3FB9];
	_ =	sdelay $0x3  }
0x36: {  	p1 =	seq.s32 s10, $0x1;
	s10 =	sld [smem:$0x3FBA];
	_ =	sdelay $0x3  }
0x37: {  	[smem:$0x3FBA] =	sst s10  }
0x38: {  	s10 =	sld [smem:$0x3FBB]  }
0x39: {  	_ = 	snop;
	(pc) =	sbr.ind lr, $3  }
0x3a: {  	_ = 	snop  }
0x3b: {  	_ = 	snop  }
0x3c: {  	p2 =	seq.s32 s10, $0x1;
	s10 =	sld [smem:$0x3FBA]  }
0x3d: {  	_ =	shalt  }
0x3e: {  	_ =	shalt  }
0x3f: {  	_ =	shalt  }
0x40: {  	_ =	shalt  }
0x41: {  	_ =	shalt  }
0x42: {  	_ =	shalt  }
0x43: {  	_ =	shalt  }
0x44: {  	_ =	shalt  }
0x45: {  	_ =	shalt  }
0x46: {  	_ =	shalt  }
0x47: {  	_ =	shalt  }
0x48: {  	_ =	shalt  }
0x49: {  	_ =	shalt  }
0x4a: {  	_ =	shalt  }
0x4b: {  	_ =	shalt  }
0x4c: {  	_ =	shalt  }
0x4d: {  	_ =	shalt  }
0x4e: {  	_ =	shalt  }
0x4f: {  	_ =	shalt  }
0x50: {  	_ =	shalt  }
0x51: {  	_ =	shalt  }
0x52: {  	_ =	shalt  }
0x53: {  	_ =	shalt  }
0x54: {  	_ =	shalt  }
0x55: {  	_ =	shalt  }
0x56: {  	_ =	shalt  }
0x57: {  	_ =	shalt  }
0x58: {  	_ =	shalt  }
0x59: {  	_ =	shalt  }
0x5a: {  	_ =	shalt  }
0x5b: {  	_ =	shalt  }
0x5c: {  	_ =	shalt  }
0x5d: {  	_ =	shalt  }
0x5e: {  	_ =	shalt  }
0x5f: {  	_ =	shalt  }
0x60: {  	_ =	shalt  }
0x61: {  	_ =	shalt  }
0x62: {  	_ =	shalt  }
0x63: {  	_ =	shalt  }
0x64: {  	_ =	shalt  }
0x65: {  	_ =	shalt  }
0x66: {  	_ =	shalt  }
0x67: {  	_ =	shalt  }
0x68: {  	_ =	shalt  }
0x69: {  	_ =	shalt  }
0x6a: {  	_ =	shalt  }
0x6b: {  	_ =	shalt  }
0x6c: {  	_ =	shalt  }
0x6d: {  	_ =	shalt  }
0x6e: {  	_ =	shalt  }
0x6f: {  	_ =	shalt  }
0x70: {  	_ =	shalt  }
0x71: {  	_ =	shalt  }
0x72: {  	_ =	shalt  }
0x73: {  	_ =	shalt  }
0x74: {  	_ =	shalt  }
0x75: {  	_ =	shalt  }
0x76: {  	_ =	shalt  }
0x77: {  	_ =	shalt  }
0x78: {  	_ =	shalt  }
0x79: {  	_ =	shalt  }
0x7a: {  	_ =	shalt  }
0x7b: {  	_ =	shalt  }
0x7c: {  	_ =	shalt  }
0x7d: {  	_ =	shalt  }
0x7e: {  	_ =	shalt  }
0x7f: {  	_ =	shalt  }
0x80: {  	_ =	shalt  }
0x81: {  	_ =	shalt  }
0x82: {  	_ =	shalt  }
0x83: {  	_ =	shalt  }
0x84: {  	_ =	shalt  }
0x85: {  	_ =	shalt  }
0x86: {  	_ =	shalt  }
0x87: {  	_ =	shalt  }
.Lfunc_end0:
.L_simem_size_0:
called_computation.1_lowered:
.L_overlay_start_0:
0x88: {  	s2 =	sld [smem:$0x3FD9]  }
0x89: {  	s3 =	sld [smem:$0x3FFE];
	_ =	sdelay $0x1  }
0x8a: {  	s1 =	srdreg.scid  }
0x8b: {  	s0 =	sand.u32 $0x1, s1  }
0x8c: {  	s17 =	sshll.u32 s0, $0xA;
	s2 =	sadd.s32 s3, s2  }
0x8d: {  	s2 =	sadd.s32 s2, s17  }
0x8e: {  	[smem:$0x3FC6] =	sst s2  }
0x8f: {  	_ = 	snop  }
0x90: {  	s2 =	sld [smem:$0x3FD0];
	(tm) =	ssettm $0x1  }
0x91: {  	s18 =	sld [smem:$0x3FFB];
	_ =	sdelay $0x3  }
0x92: {  	_ =	strace s18  }
0x93: {  	s3 =	sld [smem:$0x3FFC];
	_ =	sdelay $0x3  }
0x94: {  	_ =	strace s3  }
0x95: {  	s3 =	sld [smem:$0x3FFD];
	_ =	sdelay $0x3  }
0x96: {  	_ =	strace s3  }
0x97: {  	_ =	strace $0x8FFFFFFF  }
0x98: {  	s19 =	sld [smem:$0x3FDB];
	_ =	sdelay $0x1  }
0x99: {  	s4 =	simm.s32 $_scs_section_size  }
0x9a: {  	s5 =	simm.s32 $_size__tile_overlayer_lowered;
	s6 =	simm.s32 $_tile_overlayer_lowered  }
0x9b: {  	s22 =	simm.s32 $0x1BFF;
	s21 =	sshll.u32 s6, $0x1;
	s3 =	sadd.s32 s4, s19  }
0x9c: {  	s7 =	simm.s32 $0x0;
	s20 =	sshll.u32 s5, $0x1;
	s5 =	sadd.s32 s21, s3  }
0x9d: {  	[timem:s7], [sflag:s22] =	dma.local [hbm:s5], s20  }
0x9e: {  	_ =	swait.ge [sflag:s22], s20  }
0x9f: {  	s4 =	ssub.s32 $0x0, s20;
	[sflag:s22] =	ssyncset.done $0x0  }
0xa0: {  	[sflag:s22] =	ssyncadd.s32 s4;
	_ =	sdelay $0x1  }
0xa1: {  	s23 =	simm.s32 $0x1B8B  }
0xa2: {  	_ =	swait.ge [sflag:s23], $0x1  }
0xa3: {  	[sflag:s23] =	ssyncset.done $0x0  }
0xa4: {  	s25 =	simm.s32 $0x1B8E;
	s24 =	sld [smem:$0x3FFE];
	[sflag:s23] =	ssyncadd.s32 $0xFFFFFFFF  }
0xa5: {  	s26 =	simm.s32 $execute0_lowered;
	[smem:$0x3FD2] =	sst s25  }
0xa6: {  	s5 =	sshll.u32 s26, $0x1;
	_ =	strace $0x80000046;
	[dreg:$0x1] =	wrdreg $0xFFFFFFFF  }
0xa7: {  	s28 =	simm.s32 $_size_execute0_lowered;
	s3 =	sadd.s32 s3, s5;
	[dreg:$0x0] =	wrdreg $0x0  }
0xa8: {  	s5 =	sshll.u32 s28, $0x1;
	[dreg:$0x2] =	wrdreg s3  }
0xa9: {  	[dreg:$0x3] =	wrdreg s5  }
0xaa: {  	[dreg:$0x4] =	wrdreg $0xC0  }
0xab: {  	_ =	task [dreg:s7], $0x5FFFF  }
0xac: {  	[dreg:$0x1] =	wrdreg $0xFFFFFFFF  }
0xad: {  	[dreg:$0x0] =	wrdreg $0x60  }
0xae: {  	[dreg:$0x2] =	wrdreg s2  }
0xaf: {  	[dreg:$0x3] =	wrdreg s24  }
0xb0: {  	[dreg:$0x4] =	wrdreg $0x9  }
0xb1: {  	_ =	task.clear_ibuf [dreg:s7], $0x5FFFF;
	_ =	strace $0x90000046  }
0xb2: {  	s29 =	simm.s32 $0x9;
	_ =	strace $0x80000048  }
0xb3: {  	_ =	swait.ge [sflag:s29], $0x1  }
0xb4: {  	[sflag:s29] =	ssyncadd.s32 $0xFFFFFFFF  }
0xb5: {  	_ =	strace $0x90000048  }
0xb6: {  	_ =	sfence  }
0xb7: {  	s30 =	sld [smem:$0x0];
	_ =	sdelay $0x2  }
0xb8: {  	s31 =	sshll.u32 s1, $0xD;
	s1 =	sshrl.u32 s1, $0x2  }
0xb9: {  	s3 =	sand.u32 $0x4000, s31;
	s1 =	sadd.s32 s1, s30  }
0xba: {  	s0 =	sor.u32 s3, s0;
	s1 =	sshll.u32 s1, $0x11  }
0xbb: {  	s0 =	sor.u32 s1, s0  }
0xbc: {  	s0 =	sadd.s32 $0x8F2B, s0  }
0xbd: {  	[sflag:s0] =	ssyncadd.remote.s32 $0x1  }
0xbe: {  	_ =	sfence.sel $0xFFFF  }
0xbf: {  	[dreg:$0x0] =	wrdreg $0xFFFFFFFF;
	(pc) =	sbr.abs _section_cstart, $3  }
0xc0: {  	[dreg:$0x1] =	wrdreg $0xFFFFFFFF  }
0xc1: {  	_ =	task.clear_ibuf [dreg:s7], $0x2FFFF;
	_ =	strace $0x9FFFFFFF  }
0xc2: {  	(tm) =	ssettm $0x7FFFFFFF  }
0xc3: {  	_ =	shalt  }
tec
execute0_lowered:
.L_overlay_start_1:
0x0: {  	(tag) =	ssettag $0x1  }
0x1: {  	s0 =	rddreg [dreg:$0x0]  }
0x2: {  	s1 =	srdreg.scid;
	s13 =	stileid.u32  }
0x3: {  	s4 =	rddreg [dreg:$0x1];
	s2 =	simm.s32 $0x0;
	s16 =	simm.s32 $0x5  }
0x4: {  	s17 =	simm.s32 $0x80;
	s18 =	simm.s32 $0x6400;
	s19 =	simm.s32 $0xA400  }
0x5: {  	s21 =	simm.s32 $0xE400;
	s23 =	simm.s32 $0x12400;
	s10 =	smul.u32 $0xC800, s13  }
0x6: {  	s1 =	sand.u32 $0x1, s1;
	s3 =	sshll.u32 s13, $0x1;
	s13 =	smul.u32 $0x640000, s13  }
0x7: {  	s24 =	simm.s32 $0x1;
	s29 =	simm.s32 $0x1A400;
	s11 =	smul.u32 $0x6400, s1  }
0x8: {  	s5 =	sor.u32 s1, s3;
	s7 =	ssub.s32 $0x2, s1;
	s1 =	smul.u32 $0x320000, s1  }
0x9: {  	s30 =	simm.s32 $0x2;
	[smem:$0x7FF] =	sst s2;
	s6 =	smul.u32 $0xC80, s5  }
0xa: {  	s31 =	simm.s32 $0x3;
	_ =	strace $0x80000047;
	s8 =	smul.u32 $0x64000, s5  }
0xb: {  	s3 =	sadd.s32 $0xF42E00, s4;
	s9 =	sshrl.u32 s7, $0x1;
	s5 =	smul.u32 $0x320000, s5  }
0xc: {  	s4 =	sadd.s32 $0xA00, s4;
	s12 =	ssub.s32 s7, s9;
	s11 =	sadd.s32 s11, s10  }
0xd: {  	s1 =	sadd.s32 s1, s13;
	s0 =	sadd.s32 s0, s6;
	s25 =	sshrl.u32 s5, $0x3  }
0xe: {  	s26 =	sadd.s32 s4, s8;
	s14 =	sshll.u32 s11, $0x4;
	[dreg:$0x3] =	wrdreg s0  }
0xf: {  	s1 =	sor.u32 $0x18000, s1;
	s12 =	smax.u32 s12, $0x1;
	[dreg:$0x4] =	wrdreg s26  }
0x10: {  	s0 =	sadd.s32 s4, s25;
	s28 =	sadd.s32 s14, s4;
	s1 =	sshrl.u32 s1, $0x3  }
0x11: {  	s26 =	simm.s32 $0x16400;
	s25 =	simm.s32 $0x0;
	s6 =	sadd.s32 $0x5E000, s0  }
0x12: {  	s7 =	sadd.s32 $0x5F000, s0;
	s8 =	sadd.s32 $0x60000, s0;
	s9 =	sadd.s32 $0x61000, s0  }
0x13: {  	s10 =	sadd.s32 $0x62000, s0;
	s11 =	sadd.s32 $0x63000, s0;
	s13 =	sadd.s32 $0x2000, s28  }
0x14: {  	s14 =	sadd.s32 $0x1000, s28;
	s15 =	sadd.s32 s1, s4;
	s1 =	simm.s32 $0x4  }
.LBB2_1:
0x15: {  	s0 =	rddreg [dreg:$0x3]  }
0x16: {  	[tilespmem:s2], [sflag:$0x5] =	stream.linear.gather [hbm4b:s0+s2], $0x6400, $0x38;
	[tilespmem:$0x1E400] =	vst v63  }
0x17: {  	_ =	swait.ge [sflag:s16], $0x6400  }
0x18: {  	[sflag:s16] =	ssyncset.done $0x0  }
0x19: {  	[sflag:s16] =	ssyncadd.s32 $0xFFFF9C00  }
0x1a: {  	[tilespmem:s18], [sflag:$0x1] =	stream.indirect.gather [hbm4b:s3+s17], $0x80, s2, s17, $0xb8;
	[tilespmem:$0x1E400] =	vst v63  }
0x1b: {  	_ = 	snop  }
0x1c: {  	[tilespmem:s19], [sflag:$0x1] =	stream.indirect.gather [hbm4b:s3+s17], $0x80, s17, s17, $0xb8;
	[tilespmem:$0x1E400] =	vst v63  }
0x1d: {  	s20 =	simm.s32 $0x100  }
0x1e: {  	[tilespmem:s21], [sflag:$0x1] =	stream.indirect.gather [hbm4b:s3+s17], $0x80, s20, s17, $0xb8;
	[tilespmem:$0x1E400] =	vst v63  }
0x1f: {  	s22 =	simm.s32 $0x180  }
0x20: {  	[tilespmem:s23], [sflag:$0x1] =	stream.indirect.gather [hbm4b:s3+s17], $0x80, s22, s17, $0xb8;
	[tilespmem:$0x1E400] =	vst v63  }
0x21: {  	_ =	swait.ge [sflag:s24], $0x8000  }
0x22: {  	[sflag:s24] =	ssyncset.done $0x0  }
0x23: {  	s4 =	rddreg [dreg:$0x4];
	[sflag:s24] =	ssyncadd.s32 $0xFFFF8000  }
0x24: {  	[hbm4b:s4+s2] =	stream.linear.scatter [tilespmem:s18], [sflag:$0x2], $0x8000, $0x38;
	[tilespmem:$0x1E400] =	vst v63  }
0x25: {  	s5 =	simm.s32 $0x200  }
0x26: {  	[tilespmem:s26], [sflag:$0x1] =	stream.indirect.gather [hbm4b:s3+s17], $0x80, s5, s17, $0xb8;
	[tilespmem:$0x1E400] =	vst v63  }
0x27: {  	s20 =	simm.s32 $0x280  }
0x28: {  	[tilespmem:s29], [sflag:$0x1] =	stream.indirect.gather [hbm4b:s3+s17], $0x80, s20, s17, $0xb8;
	[tilespmem:$0x1E400] =	vst v63  }
0x29: {  	_ =	swait.ge [sflag:s24], $0x8000  }
0x2a: {  	[sflag:s24] =	ssyncset.done $0x0  }
0x2b: {  	[sflag:s24] =	ssyncadd.s32 $0xFFFF8000  }
0x2c: {  	[hbm4b:s14+s2] =	stream.linear.scatter [tilespmem:s21], [sflag:$0x3], $0x8000, $0x38;
	[tilespmem:$0x1E400] =	vst v63  }
0x2d: {  	_ =	swait.ge [sflag:s30], $0x8000  }
0x2e: {  	[sflag:s30] =	ssyncset.done $0x0  }
0x2f: {  	s22 =	simm.s32 $0x300;
	[sflag:s30] =	ssyncadd.s32 $0xFFFF8000  }
0x30: {  	[tilespmem:s18], [sflag:$0x1] =	stream.indirect.gather [hbm4b:s3+s17], $0x80, s22, s17, $0xb8;
	[tilespmem:$0x1E400] =	vst v63  }
0x31: {  	s4 =	simm.s32 $0x380  }
0x32: {  	[tilespmem:s19], [sflag:$0x1] =	stream.indirect.gather [hbm4b:s3+s17], $0x80, s4, s17, $0xb8;
	[tilespmem:$0x1E400] =	vst v63  }
0x33: {  	_ =	swait.ge [sflag:s24], $0x8000  }
0x34: {  	[sflag:s24] =	ssyncset.done $0x0  }
0x35: {  	[sflag:s24] =	ssyncadd.s32 $0xFFFF8000  }
0x36: {  	[hbm4b:s13+s2] =	stream.linear.scatter [tilespmem:s26], [sflag:$0x4], $0x8000, $0x38;
	[tilespmem:$0x1E400] =	vst v63  }
0x37: {  	_ =	swait.ge [sflag:s31], $0x8000  }
0x38: {  	[sflag:s31] =	ssyncset.done $0x0  }
0x39: {  	s5 =	simm.s32 $0x400;
	[sflag:s31] =	ssyncadd.s32 $0xFFFF8000  }
0x3a: {  	[tilespmem:s21], [sflag:$0x1] =	stream.indirect.gather [hbm4b:s3+s17], $0x80, s5, s17, $0xb8;
	[tilespmem:$0x1E400] =	vst v63  }
0x3b: {  	s20 =	simm.s32 $0x480  }
0x3c: {  	[tilespmem:s23], [sflag:$0x1] =	stream.indirect.gather [hbm4b:s3+s17], $0x80, s20, s17, $0xb8;
	[tilespmem:$0x1E400] =	vst v63  }
0x3d: {  	_ =	swait.ge [sflag:s24], $0x8000  }
0x3e: {  	[sflag:s24] =	ssyncset.done $0x0  }
0x3f: {  	[sflag:s24] =	ssyncadd.s32 $0xFFFF8000  }
0x40: {  	[hbm4b:s15+s2] =	stream.linear.scatter [tilespmem:s18], [sflag:$0x2], $0x8000, $0x38;
	[tilespmem:$0x1E400] =	vst v63  }
0x41: {  	_ =	swait.ge [sflag:s1], $0x8000  }
0x42: {  	s28 =	simm.s32 $0xC00;
	[sflag:s1] =	ssyncset.done $0x0  }
0x43: {  	s0 =	sadd.s32 $0x3000, s15;
	s22 =	simm.s32 $0x500;
	[sflag:s1] =	ssyncadd.s32 $0xFFFF8000  }
0x44: {  	[tilespmem:s26], [sflag:$0x1] =	stream.indirect.gather [hbm4b:s3+s17], $0x80, s22, s17, $0xb8;
	[tilespmem:$0x1E400] =	vst v63  }
0x45: {  	s4 =	simm.s32 $0x580;
	s20 =	sadd.s32 $0x3000, s13;
	s22 =	sadd.s32 $0x3000, s14  }
.LBB2_2:
0x46: {  	[tilespmem:s29], [sflag:$0x1] =	stream.indirect.gather [hbm4b:s3+s17], $0x80, s4, s17, $0xb8;
	[tilespmem:$0x1E400] =	vst v63  }
0x47: {  	s4 =	smov.u32 s28  }
0x48: {  	p0 =	sne.s32 s28, $0x16800;
	s28 =	sadd.s32 $0xC00, s28;
	_ =	swait.ge [sflag:s24], $0x8000  }
0x49: {  	[sflag:s24] =	ssyncset.done $0x0  }
0x4a: {  	[sflag:s24] =	ssyncadd.s32 $0xFFFF8000  }
0x4b: {  	[hbm4b:s22+s2] =	stream.linear.scatter [tilespmem:s21], [sflag:$0x3], $0x8000, $0x38;
	[tilespmem:$0x1E400] =	vst v63  }
0x4c: {  	_ =	swait.ge [sflag:s30], $0x8000  }
0x4d: {  	s4 =	sshra.s32 s4, $0x2;
	[sflag:s30] =	ssyncset.done $0x0  }
0x4e: {  	s5 =	sadd.s32 $0x300, s4;
	[sflag:s30] =	ssyncadd.s32 $0xFFFF8000  }
0x4f: {  	[tilespmem:s18], [sflag:$0x1] =	stream.indirect.gather [hbm4b:s3+s17], $0x80, s5, s17, $0xb8;
	[tilespmem:$0x1E400] =	vst v63  }
0x50: {  	s5 =	sadd.s32 $0x380, s4  }
0x51: {  	[tilespmem:s19], [sflag:$0x1] =	stream.indirect.gather [hbm4b:s3+s17], $0x80, s5, s17, $0xb8;
	[tilespmem:$0x1E400] =	vst v63  }
0x52: {  	_ =	swait.ge [sflag:s24], $0x8000  }
0x53: {  	[sflag:s24] =	ssyncset.done $0x0  }
0x54: {  	[sflag:s24] =	ssyncadd.s32 $0xFFFF8000  }
0x55: {  	[hbm4b:s20+s2] =	stream.linear.scatter [tilespmem:s26], [sflag:$0x4], $0x8000, $0x38;
	[tilespmem:$0x1E400] =	vst v63  }
0x56: {  	_ =	swait.ge [sflag:s31], $0x8000  }
0x57: {  	[sflag:s31] =	ssyncset.done $0x0  }
0x58: {  	s5 =	sadd.s32 $0x400, s4;
	[sflag:s31] =	ssyncadd.s32 $0xFFFF8000  }
0x59: {  	[tilespmem:s21], [sflag:$0x1] =	stream.indirect.gather [hbm4b:s3+s17], $0x80, s5, s17, $0xb8;
	[tilespmem:$0x1E400] =	vst v63  }
0x5a: {  	s5 =	sadd.s32 $0x480, s4  }
0x5b: {  	[tilespmem:s23], [sflag:$0x1] =	stream.indirect.gather [hbm4b:s3+s17], $0x80, s5, s17, $0xb8;
	[tilespmem:$0x1E400] =	vst v63  }
0x5c: {  	_ =	swait.ge [sflag:s24], $0x8000  }
0x5d: {  	[sflag:s24] =	ssyncset.done $0x0  }
0x5e: {  	[sflag:s24] =	ssyncadd.s32 $0xFFFF8000  }
0x5f: {  	[hbm4b:s0+s2] =	stream.linear.scatter [tilespmem:s18], [sflag:$0x2], $0x8000, $0x38;
	[tilespmem:$0x1E400] =	vst v63  }
.Ltmp0:
0x60: {  	_ =	swait.ge [sflag:s1], $0x8000;
	(pc) =	sbr.rel @p0 .LBB2_2-.Ltmp0, $4  }
0x61: {  	[sflag:s1] =	ssyncset.done $0x0  }
0x62: {  	s5 =	sadd.s32 $0x500, s4;
	s0 =	sadd.s32 $0x3000, s0;
	[sflag:s1] =	ssyncadd.s32 $0xFFFF8000  }
0x63: {  	[tilespmem:s26], [sflag:$0x1] =	stream.indirect.gather [hbm4b:s3+s17], $0x80, s5, s17, $0xb8;
	[tilespmem:$0x1E400] =	vst v63  }
0x64: {  	s22 =	sadd.s32 $0x3000, s22;
	s20 =	sadd.s32 $0x3000, s20;
	s4 =	sadd.s32 $0x580, s4  }
0x65: {  	[tilespmem:s29], [sflag:$0x1] =	stream.indirect.gather [hbm4b:s3+s17], $0x80, s4, s17, $0xb8;
	[tilespmem:$0x1E400] =	vst v63  }
0x66: {  	_ =	swait.ge [sflag:s24], $0x8000  }
0x67: {  	[sflag:s24] =	ssyncset.done $0x0  }
0x68: {  	[sflag:s24] =	ssyncadd.s32 $0xFFFF8000  }
0x69: {  	[hbm4b:s6+s2] =	stream.linear.scatter [tilespmem:s21], [sflag:$0x3], $0x8000, $0x38;
	[tilespmem:$0x1E400] =	vst v63  }
0x6a: {  	_ =	swait.ge [sflag:s30], $0x8000  }
0x6b: {  	[sflag:s30] =	ssyncset.done $0x0  }
0x6c: {  	s0 =	simm.s32 $0x6000;
	[sflag:s30] =	ssyncadd.s32 $0xFFFF8000  }
0x6d: {  	[tilespmem:s18], [sflag:$0x1] =	stream.indirect.gather [hbm4b:s3+s17], $0x80, s0, s17, $0xb8;
	[tilespmem:$0x1E400] =	vst v63  }
0x6e: {  	s22 =	simm.s32 $0x6080  }
0x6f: {  	[tilespmem:s19], [sflag:$0x1] =	stream.indirect.gather [hbm4b:s3+s17], $0x80, s22, s17, $0xb8;
	[tilespmem:$0x1E400] =	vst v63  }
0x70: {  	_ =	swait.ge [sflag:s24], $0x8000  }
0x71: {  	[sflag:s24] =	ssyncset.done $0x0  }
0x72: {  	[sflag:s24] =	ssyncadd.s32 $0xFFFF8000  }
0x73: {  	[hbm4b:s7+s2] =	stream.linear.scatter [tilespmem:s26], [sflag:$0x4], $0x8000, $0x38;
	[tilespmem:$0x1E400] =	vst v63  }
0x74: {  	_ =	swait.ge [sflag:s31], $0x8000  }
0x75: {  	[sflag:s31] =	ssyncset.done $0x0  }
0x76: {  	s28 =	simm.s32 $0x6100;
	[sflag:s31] =	ssyncadd.s32 $0xFFFF8000  }
0x77: {  	[tilespmem:s21], [sflag:$0x1] =	stream.indirect.gather [hbm4b:s3+s17], $0x80, s28, s17, $0xb8;
	[tilespmem:$0x1E400] =	vst v63  }
0x78: {  	s4 =	simm.s32 $0x6180  }
0x79: {  	[tilespmem:s23], [sflag:$0x1] =	stream.indirect.gather [hbm4b:s3+s17], $0x80, s4, s17, $0xb8;
	[tilespmem:$0x1E400] =	vst v63  }
0x7a: {  	_ =	swait.ge [sflag:s24], $0x8000  }
0x7b: {  	[sflag:s24] =	ssyncset.done $0x0  }
0x7c: {  	[sflag:s24] =	ssyncadd.s32 $0xFFFF8000  }
0x7d: {  	[hbm4b:s8+s2] =	stream.linear.scatter [tilespmem:s18], [sflag:$0x2], $0x8000, $0x38;
	[tilespmem:$0x1E400] =	vst v63  }
0x7e: {  	_ =	swait.ge [sflag:s1], $0x8000  }
0x7f: {  	[sflag:s1] =	ssyncset.done $0x0  }
0x80: {  	s5 =	simm.s32 $0x6200;
	[sflag:s1] =	ssyncadd.s32 $0xFFFF8000  }
0x81: {  	[tilespmem:s26], [sflag:$0x1] =	stream.indirect.gather [hbm4b:s3+s17], $0x80, s5, s17, $0xb8;
	[tilespmem:$0x1E400] =	vst v63  }
0x82: {  	s20 =	simm.s32 $0x6280  }
0x83: {  	[tilespmem:s29], [sflag:$0x1] =	stream.indirect.gather [hbm4b:s3+s17], $0x80, s20, s17, $0xb8;
	[tilespmem:$0x1E400] =	vst v63  }
0x84: {  	_ =	swait.ge [sflag:s24], $0x8000  }
0x85: {  	[sflag:s24] =	ssyncset.done $0x0  }
0x86: {  	[sflag:s24] =	ssyncadd.s32 $0xFFFF8000  }
0x87: {  	[hbm4b:s9+s2] =	stream.linear.scatter [tilespmem:s21], [sflag:$0x3], $0x8000, $0x38;
	[tilespmem:$0x1E400] =	vst v63  }
0x88: {  	_ =	swait.ge [sflag:s30], $0x8000  }
0x89: {  	[sflag:s30] =	ssyncset.done $0x0  }
0x8a: {  	s22 =	simm.s32 $0x6300;
	[sflag:s30] =	ssyncadd.s32 $0xFFFF8000  }
0x8b: {  	[tilespmem:s18], [sflag:$0x1] =	stream.indirect.gather [hbm4b:s3+s17], $0x80, s22, s17, $0xb8;
	[tilespmem:$0x1E400] =	vst v63  }
0x8c: {  	s28 =	simm.s32 $0x6380  }
0x8d: {  	[tilespmem:s19], [sflag:$0x1] =	stream.indirect.gather [hbm4b:s3+s17], $0x80, s28, s17, $0xb8;
	[tilespmem:$0x1E400] =	vst v63  }
0x8e: {  	_ =	swait.ge [sflag:s24], $0x8000  }
0x8f: {  	[sflag:s24] =	ssyncset.done $0x0  }
0x90: {  	[sflag:s24] =	ssyncadd.s32 $0xFFFF8000  }
0x91: {  	[hbm4b:s10+s2] =	stream.linear.scatter [tilespmem:s26], [sflag:$0x4], $0x8000, $0x38;
	[tilespmem:$0x1E400] =	vst v63  }
0x92: {  	_ =	swait.ge [sflag:s24], $0x8000  }
0x93: {  	[sflag:s24] =	ssyncset.done $0x0  }
0x94: {  	[sflag:s24] =	ssyncadd.s32 $0xFFFF8000  }
0x95: {  	[hbm4b:s11+s2] =	stream.linear.scatter [tilespmem:s18], [sflag:$0x2], $0x8000, $0x38;
	[tilespmem:$0x1E400] =	vst v63  }
0x96: {  	_ =	swait.ge [sflag:s31], $0x8000  }
0x97: {  	[sflag:s31] =	ssyncset.done $0x0  }
0x98: {  	s25 =	sadd.s32 $0x1, s25;
	[sflag:s31] =	ssyncadd.s32 $0xFFFF8000  }
0x99: {  	p0 =	sne.s32 s25, s12;
	_ =	swait.ge [sflag:s1], $0x8000  }
.Ltmp1:
0x9a: {  	[sflag:s1] =	ssyncset.done $0x0;
	(pc) =	sbr.rel @p0 .LBB2_1-.Ltmp1, $4  }
0x9b: {  	[sflag:s1] =	ssyncadd.s32 $0xFFFF8000  }
0x9c: {  	_ =	swait.ge [sflag:s30], $0x8000  }
0x9d: {  	[sflag:s30] =	ssyncset.done $0x0  }
0x9e: {  	[sflag:s30] =	ssyncadd.s32 $0xFFFF8000  }
0x9f: {  	_ =	sfence.sel $0x180000  }
0xa0: {  	[bflag:$0x0] =	sbarrier.arrive $0xFFFF  }
0xa1: {  	_ =	strace $0x90000047  }
0xa2: {  	s0 =	stileid.u32;
	[bflag:$0x2] =	sbarrier.arrive $0xFFFF  }
0xa3: {  	p0 =	sne.s32 s0, $0x0;
	s0 =	rddreg [dreg:$0x2]  }
0xa4: {  	s0 =	sadd.s32 @!p0 $0x100000, s0  }
0xa5: {  	[sflag:s0] =	ssyncadd.tile.s32 @!p0 $0x1;
	_ =	shalt  }
.Lfunc_end2:
_tile_overlayer_lowered:
.L_overlay_start_2:
0xa6: {  	(tag) =	ssettag $0x2  }
0xa7: {  	s0 =	rddreg [dreg:$0x0];
	s2 =	stileid.u32  }
0xa8: {  	s1 =	rddreg [dreg:$0x1];
	p0 =	sne.s32 s2, $0x0  }
0xa9: {  	s3 =	rddreg [dreg:$0x2];
	[bflag:$0x3] =	sbarrier.arrive $0xFFFF;
	s2 =	simm.s32 @!p0 $0x1C05  }
0xaa: {  	[timem:s3], [sflag:s2] =	dma.local @!p0 [hbm:s0], s1  }
0xab: {  	s0 =	simm.s32 @!p0 $0x5  }
0xac: {  	_ =	swait.ge @!p0 [sflag:s0], s1  }
0xad: {  	s1 =	ssub.s32 @!p0 $0x0, s1;
	[sflag:s0] =	ssyncset.done @!p0 $0x0  }
0xae: {  	[sflag:s0] =	ssyncadd.s32 @!p0 s1  }
0xaf: {  	[bflag:$0x3] =	sbarrier.arrive $0xFFFF  }
0xb0: {  	_ =	shalt  }

// kernel: sparse-core-data-format-call.cloned.1.call-start
scs
called_computation_lowered:
.L_overlay_start_0:
0x0: {  	s2 =	sld [smem:$0x3FD9]  }
0x1: {  	s3 =	sld [smem:$0x3FFE];
	_ =	sdelay $0x1  }
0x2: {  	s1 =	srdreg.scid  }
0x3: {  	s0 =	sand.u32 $0x1, s1  }
0x4: {  	s18 =	sshll.u32 s0, $0xA;
	s2 =	sadd.s32 s3, s2  }
0x5: {  	s2 =	sadd.s32 s2, s18  }
0x6: {  	[smem:$0x3FC6] =	sst s2  }
0x7: {  	_ = 	snop  }
0x8: {  	s2 =	sld [smem:$0x3FD0];
	(tm) =	ssettm $0x1  }
0x9: {  	s19 =	sld [smem:$0x3FFB];
	_ =	sdelay $0x3  }
0xa: {  	_ =	strace s19  }
0xb: {  	s3 =	sld [smem:$0x3FFC];
	_ =	sdelay $0x3  }
0xc: {  	_ =	strace s3  }
0xd: {  	s3 =	sld [smem:$0x3FFD];
	_ =	sdelay $0x3  }
0xe: {  	_ =	strace s3  }
0xf: {  	_ =	strace $0x8FFFFFFF  }
0x10: {  	s20 =	sld [smem:$0x3FDB];
	_ =	sdelay $0x1  }
0x11: {  	s4 =	simm.s32 $_scs_section_size  }
0x12: {  	s5 =	simm.s32 $_size__tile_overlayer_lowered;
	s6 =	simm.s32 $_tile_overlayer_lowered  }
0x13: {  	s23 =	simm.s32 $0x1BFF;
	s22 =	sshll.u32 s6, $0x1;
	s3 =	sadd.s32 s4, s20  }
0x14: {  	s7 =	simm.s32 $0x0;
	s21 =	sshll.u32 s5, $0x1;
	s5 =	sadd.s32 s22, s3  }
0x15: {  	[timem:s7], [sflag:s23] =	dma.local [hbm:s5], s21  }
0x16: {  	_ =	swait.ge [sflag:s23], s21  }
0x17: {  	s4 =	ssub.s32 $0x0, s21;
	[sflag:s23] =	ssyncset.done $0x0  }
0x18: {  	[sflag:s23] =	ssyncadd.s32 s4;
	_ =	sdelay $0x1  }
0x19: {  	s24 =	simm.s32 $0x1B8B  }
0x1a: {  	_ =	swait.ge [sflag:s24], $0x1  }
0x1b: {  	[sflag:s24] =	ssyncset.done $0x0  }
0x1c: {  	s26 =	simm.s32 $0x1B8E;
	s25 =	sld [smem:$0x3FFE];
	[sflag:s24] =	ssyncadd.s32 $0xFFFFFFFF  }
0x1d: {  	s27 =	simm.s32 $execute0_lowered;
	[smem:$0x3FD2] =	sst s26  }
0x1e: {  	s5 =	sshll.u32 s27, $0x1;
	_ =	strace $0x80000049;
	[dreg:$0x1] =	wrdreg $0xFFFFFFFF  }
0x1f: {  	s28 =	simm.s32 $_size_execute0_lowered;
	s3 =	sadd.s32 s3, s5;
	[dreg:$0x0] =	wrdreg $0x0  }
0x20: {  	s5 =	sshll.u32 s28, $0x1;
	[dreg:$0x2] =	wrdreg s3  }
0x21: {  	[dreg:$0x3] =	wrdreg s5  }
0x22: {  	[dreg:$0x4] =	wrdreg $0xC0  }
0x23: {  	_ =	task [dreg:s7], $0x5FFFF  }
0x24: {  	[dreg:$0x1] =	wrdreg $0xFFFFFFFF  }
0x25: {  	[dreg:$0x0] =	wrdreg $0x60  }
0x26: {  	[dreg:$0x2] =	wrdreg s25  }
0x27: {  	[dreg:$0x3] =	wrdreg s2  }
0x28: {  	[dreg:$0x4] =	wrdreg $0x9  }
0x29: {  	_ =	task.clear_ibuf [dreg:s7], $0x5FFFF;
	_ =	strace $0x90000049  }
0x2a: {  	s29 =	simm.s32 $0x9;
	_ =	strace $0x8000004B  }
0x2b: {  	_ =	swait.ge [sflag:s29], $0x1  }
0x2c: {  	[sflag:s29] =	ssyncadd.s32 $0xFFFFFFFF  }
0x2d: {  	_ =	strace $0x9000004B  }
0x2e: {  	_ =	sfence  }
0x2f: {  	s30 =	sld [smem:$0x0];
	_ =	sdelay $0x2  }
0x30: {  	s31 =	sshll.u32 s1, $0xD;
	s1 =	sshrl.u32 s1, $0x2  }
0x31: {  	s3 =	sand.u32 $0x4000, s31;
	s1 =	sadd.s32 s1, s30  }
0x32: {  	s0 =	sor.u32 s3, s0;
	s1 =	sshll.u32 s1, $0x11  }
0x33: {  	s0 =	sor.u32 s1, s0  }
0x34: {  	s0 =	sadd.s32 $0x8F2B, s0  }
0x35: {  	[sflag:s0] =	ssyncadd.remote.s32 $0x1  }
0x36: {  	_ =	sfence.sel $0xFFFF  }
0x37: {  	[dreg:$0x0] =	wrdreg $0xFFFFFFFF;
	(pc) =	sbr.abs _section_cstart, $3  }
0x38: {  	[dreg:$0x1] =	wrdreg $0xFFFFFFFF  }
0x39: {  	_ =	task.clear_ibuf [dreg:s7], $0x2FFFF;
	_ =	strace $0x9FFFFFFF  }
0x3a: {  	(tm) =	ssettm $0x7FFFFFFF  }
0x3b: {  	_ =	shalt  }
tec
execute0_lowered:
.L_overlay_start_1:
0x0: {  	(tag) =	ssettag $0x1  }
0x1: {  	s0 =	srdreg.scid  }
0x2: {  	s1 =	sshll.u32 s0, $0x4  }
0x3: {  	s0 =	stileid.u32;
	s1 =	sand.u32 $0x10, s1  }
0x4: {  	s1 =	sor.u32 s0, s1  }
0x5: {  	s6 =	rddreg [dreg:$0x0];
	s4 =	simm.s32 $0x1;
	s2 =	sshll.u32 s1, $0x7  }
0x6: {  	s7 =	simm.s32 $0x2;
	s12 =	simm.s32 $0x0;
	s1 =	ssub.s32 $0x4000, s2  }
0x7: {  	s8 =	simm.s32 $0x20000;
	s13 =	simm.s32 $0x0;
	s3 =	sand.u32 $0xF80, s1  }
0x8: {  	s9 =	simm.s32 $0x0;
	s5 =	sshrl.u32 s1, $0xC;
	p0 =	sne.s32 s3, $0x0  }
.Ltmp0:
0x9: {  	s1 =	rddreg [dreg:$0x2];
	s4 =	simm.s32 @!p0 $0x0;
	(pc) =	sbr.rel .LBB1_1-.Ltmp0, $4  }
0xa: {  	s11 =	simm.s32 $0x0;
	s3 =	rddreg [dreg:$0x1];
	s5 =	sadd.s32 s4, s5  }
0xb: {  	_ =	strace $0x8000004A;
	s4 =	simm.s32 $0x1;
	s5 =	smul.u32 $0x32, s5  }
0xc: {  	s6 =	sadd.s32 $0xC80A00, s6;
	s10 =	smov.u32 s2;
	[sflag:s4] =	ssyncpa.u1 $0x0  }
0xd: {  	p0 =	por $0x0, $0x0;
	[sflag:s7] =	ssyncpa.u1 $0x0;
	s7 =	sor.u32 $0x1, s5  }
.LBB1_4:
0xe: {  	s16 =	sshll.u32 s13, $0x3;
	s17 =	sand.u32 $0x78, s13  }
0xf: {  	s30 =	sand.u32 $0x1F800, s13;
	s12 =	sshll.u32 s12, $0x11;
	s16 =	sand.u32 $0x3C00, s16  }
0x10: {  	[tilespmem:s15+$0x810 ss:$0x81] =	vst.msk $0xffff, v2;
	s31 =	sand.u32 $0x7, s13;
	s16 =	sor.u32 s17, s16;
	s17 =	sadd.s32 s3, s30  }
0x11: {  	[tilespmem:s15+$0x1020 ss:$0x81] =	vst.msk $0xffff, v0;
	s13 =	sshll.u32 s31, $0x12;
	s12 =	sadd.s32 s12, s17;
	s16 =	sshrl.u32 s16, $0x3  }
0x12: {  	[tilespmem:s15+$0x0 ss:$0x81] =	vst.msk $0xffff, v1;
	s13 =	sor.u32 $0x400, s13;
	s12 =	sadd.s32 s16, s12  }
0x13: {  	[hbm4b:s12+s13] =	stream.strided.scatter [tilespmem:s14], [sflag:$0x2], $0x2000, s8, s13, $0x20;
	[tilespmem:$0x8080] =	vst v63  }
.LBB1_5:
0x14: {  	s14 =	sadd.s32 $0x1, s9  }
0x15: {  	s12 =	sadd.s32 $0x1000, s10;
	s16 =	smov.u32 s10;
	p2 =	sgt.s32 s14, $0x31  }
0x16: {  	s16 =	smov.u32 @p2 s12  }
0x17: {  	s14 =	simm.s32 @p2 $0x0;
	p2 =	sgt.s32 s16, $0x3FFF  }
0x18: {  	s16 =	smov.u32 @p2 s2;
	p2 =	sne.s32 s11, s7  }
.Ltmp1:
0x19: {  	p1 =	slt.u32 s11, $0x2;
	(pc) =	sbr.rel @!p2 .LBB1_6-.Ltmp1, $4  }
0x1a: {  	s15 =	simm.s32 @!p1 $0x2  }
0x1b: {  	s13 =	smov.u32 s10;
	p0 =	por !p0, !p0;
	_ =	swait.ge @!p1 [sflag:s15], $0x2000  }
0x1c: {  	s12 =	smov.u32 s9;
	[sflag:s15] =	ssyncset.done @!p1 $0x0;
	s9 =	smov.u32 s14  }
0x1d: {  	s11 =	sadd.s32 $0x1, s11;
	[sflag:s15] =	ssyncadd.s32 @!p1 $0xFFFFE000;
	s10 =	smov.u32 s16  }
.LBB1_1:
0x1e: {  	p1 =	sge.u32 s11, s5  }
0x1f: {  	s14 =	sand.u32 @!p1 $0x1FFFFFF, s9  }
0x20: {  	s15 =	smulhi.u32 @!p1 $0x4924925, s14;
	_ =	sdelay $0x1  }
0x21: {  	s15 =	smul.u32 @!p1 $0x38, s15  }
0x22: {  	s16 =	sxor.u32 @!p1 $0xFFFFFFFF, s11;
	s17 =	smul.u32 @!p1 $0x380, s10  }
0x23: {  	s31 =	sadd.s32 $0xFFFFFFFF, s11;
	s16 =	sshll.u32 @!p1 s16, $0xD;
	s14 =	ssub.s32 @!p1 s14, s15  }
0x24: {  	s15 =	sand.u32 @!p1 $0x2000, s16;
	s16 =	sadd.s32 @!p1 s6, s17;
	s14 =	sshll.u32 @!p1 s14, $0x4  }
0x25: {  	s17 =	simm.s32 @!p1 $0x1C00;
	s14 =	sadd.s32 @!p1 s14, s16;
	s16 =	simm.s32 @!p1 $0x40  }
0x26: {  	[tilespmem:s15], [sflag:$0x1] =	stream.strided.gather @!p1 [hbm4b:s14+s16], $0x2000, s17, s16, $0x38;
	[tilespmem:$0x8080] =	vst v63  }
0x27: {  	p1 =	sge.u32 s31, s5  }
.Ltmp2:
0x28: {  	_ = 	snop;
	(pc) =	sbr.rel @p1 .LBB1_5-.Ltmp2, $1  }
0x29: {  	_ =	sdelay $0x3  }
0x2a: {  	s14 =	simm.s32 $0x1  }
0x2b: {  	_ =	swait.ge [sflag:s4], $0x2000;
	s14 =	simm.s32 @!p0 $0x0  }
0x2c: {  	[sflag:s4] =	ssyncset.done $0x0;
	s15 =	sshll.u32 s14, $0xD  }
0x2d: {  	[sflag:s4] =	ssyncadd.s32 $0xFFFFE000;
	s18 =	sor.u32 $0x20, s15  }
0x2e: {  	s14 =	smul.u32 $0x8100, s14;
	v3 =	vld [tilespmem:s18+$0x10]  }
0x2f: {  	s30 =	sand.u32 $0x1, s11;
	v2 =	vld [tilespmem:s18+$0xFFFFFFF0]  }
0x30: {  	s15 =	smul.u32 $0x8100, s30;
	s14 =	sshrl.u32 s14, $0x2;
	v0 =	vld [tilespmem:s18+$0x0]  }
0x31: {  	v1 =	vld [tilespmem:s18+$0xFFFFFFE0];
	s16 =	sor.u32 $0x4000, s14  }
0x32: {  	s31 =	sshrl.u32 s15, $0x2;
	s15 =	sadd.s32 $0x0, s16  }
0x33: {  	s17 =	simm.s32 $0x4;
	s18 =	sadd.s32 $0x40, s18;
	s14 =	sor.u32 $0x4000, s31;
	[tilespmem:s15+$0x1830 ss:$0x81] =	vst.msk $0xffff, v3  }
.LBB1_3:
0x34: {  	v3 =	vld [tilespmem:s18+$0x10];
	p1 =	sne.s32 s17, $0x1FC;
	[tilespmem:s15+$0x810 ss:$0x81] =	vst.msk $0xffff, v2;
	s19 =	smov.u32 s17;
	s17 =	sadd.s32 $0x4, s17  }
.Ltmp3:
0x35: {  	v2 =	vld [tilespmem:s18+$0xFFFFFFF0];
	[tilespmem:s15+$0x1020 ss:$0x81] =	vst.msk $0xffff, v0;
	(pc) =	sbr.rel @p1 .LBB1_3-.Ltmp3, $4  }
0x36: {  	v0 =	vld [tilespmem:s18+$0x0];
	[tilespmem:s15+$0x0 ss:$0x81] =	vst.msk $0xffff, v1  }
0x37: {  	s15 =	sshra.s32 s19, $0x2;
	v1 =	vld [tilespmem:s18+$0xFFFFFFE0]  }
0x38: {  	s15 =	sadd.s32 s15, s16  }
0x39: {  	s18 =	sadd.s32 $0x40, s18;
	[tilespmem:s15+$0x1830 ss:$0x81] =	vst.msk $0xffff, v3  }
.Ltmp4:
0x3a: {  	_ = 	snop;
	(pc) =	sbr.rel .LBB1_4-.Ltmp4, $1  }
0x3b: {  	_ =	sdelay $0x3  }
.LBB1_6:
0x3c: {  	_ =	sfence.sel $0x180000  }
0x3d: {  	s2 =	simm.s32 $0x1;
	[bflag:$0x0] =	sbarrier.arrive $0xFFFF  }
0x3e: {  	s31 =	simm.s32 $0x2;
	[sflag:s2] =	ssyncpa.u1 $0x1  }
0x3f: {  	[sflag:s31] =	ssyncpa.u1 $0x1  }
0x40: {  	p0 =	sne.s32 s0, $0x0;
	_ =	strace $0x9000004A  }
0x41: {  	s0 =	sadd.s32 @!p0 $0x100000, s1;
	[bflag:$0x2] =	sbarrier.arrive $0xFFFF  }
0x42: {  	[sflag:s0] =	ssyncadd.tile.s32 @!p0 $0x1;
	_ =	shalt  }
.Lfunc_end1:
_tile_overlayer_lowered:
.L_overlay_start_2:
0x43: {  	(tag) =	ssettag $0x2  }
0x44: {  	s0 =	rddreg [dreg:$0x0];
	s2 =	stileid.u32  }
0x45: {  	s1 =	rddreg [dreg:$0x1];
	p0 =	sne.s32 s2, $0x0  }
0x46: {  	s3 =	rddreg [dreg:$0x2];
	[bflag:$0x3] =	sbarrier.arrive $0xFFFF;
	s2 =	simm.s32 @!p0 $0x1C01  }
0x47: {  	[timem:s3], [sflag:s2] =	dma.local @!p0 [hbm:s0], s1  }
0x48: {  	s0 =	simm.s32 @!p0 $0x1  }
0x49: {  	_ =	swait.ge @!p0 [sflag:s0], s1  }
0x4a: {  	s1 =	ssub.s32 @!p0 $0x0, s1;
	[sflag:s0] =	ssyncset.done @!p0 $0x0  }
0x4b: {  	[sflag:s0] =	ssyncadd.s32 @!p0 s1  }
0x4c: {  	[bflag:$0x3] =	sbarrier.arrive $0xFFFF  }
0x4d: {  	_ =	shalt  }

</sc_bundles>
